<compile_context>
chip_gen: v7x
topology: tpu7x:2x2x1
jax: 0.10.2.dev20260603
libtpu: 0.0.44.dev20260713+nightly
codegen_flags: <defaults>
</compile_context>

<pallas_src>
import functools

import jax
import jax.numpy as jnp
from jax import lax
from jax.experimental import pallas as pl
from jax.experimental.pallas import tpu as pltpu
from jax.experimental.pallas import tpu_sc as plsc

N = 10000
E = 320000
B = 64
POS_DIM = 3
NF = 128
HF = NF - POS_DIM
HID = 128
TT = 1000.0
G0 = -10.0
G1 = 10.0

NC = 2
NS = 16
NW = NC * NS
EPW = E // NW
KE = 80
NBLK = EPW // KE
EBLK = 2560
NEB = E // EBLK
CW = 8

_f32 = jnp.float32


NBLK_N = 2000
NGB = N // NBLK_N


def _stats_body(pos_ref, eps3_ref, mask_r_ref, t_ref, stats_ref, snr_ref):
    i = pl.program_id(0)

    @pl.when(i == 0)
    def _():
        stats_ref[...] = jnp.zeros_like(stats_ref)
        t = t_ref[...]
        gt = G0 + (G1 - G0) * t
        gs = G0 + (G1 - G0) * (t - 1.0 / TT)
        snr_ref[...] = 1.0 - jnp.exp(-(gs - gt))

    msk_r = mask_r_ref[0]
    onehotT = (lax.broadcasted_iota(jnp.int32, (B, NBLK_N), 0)
               == msk_r).astype(_f32)
    possum = jnp.dot(onehotT, pos_ref[...], preferred_element_type=_f32)
    epssum = jnp.dot(onehotT, eps3_ref[...], preferred_element_type=_f32)
    cnt = jnp.sum(onehotT, axis=1, keepdims=True)
    stats_ref[...] += jnp.concatenate(
        [possum, epssum, cnt, jnp.zeros((B, 1), _f32)], axis=1)


def _stats(pos, eps3, mask_r, t):
    return pl.pallas_call(
        _stats_body,
        grid=(NGB,),
        in_specs=[
            pl.BlockSpec((NBLK_N, POS_DIM), lambda i: (i, 0)),
            pl.BlockSpec((NBLK_N, POS_DIM), lambda i: (i, 0)),
            pl.BlockSpec((1, 1, NBLK_N), lambda i: (i, 0, 0)),
            pl.BlockSpec((B, 1), lambda i: (0, 0)),
        ],
        out_specs=[pl.BlockSpec((B, 8), lambda i: (0, 0)),
                   pl.BlockSpec((B, 1), lambda i: (0, 0))],
        out_shape=[jax.ShapeDtypeStruct((B, 8), _f32),
                   jax.ShapeDtypeStruct((B, 1), _f32)],
    )(pos, eps3, mask_r, t)


def _pre_body(stats_ref, t_ref, cond_ref, pos_ref, h_ref, eps_ref, mask_c_ref,
              We_ref, Wt_ref, Wcnd_ref, Wm1_ref, bm1_ref,
              epsc_ref, h0_ref, tsrc_ref, tdst_ref, zx_ref):
    stats = stats_ref[...]
    cnt = jnp.maximum(stats[:, 6:7], 1.0)
    posm = stats[:, 0:3] / cnt
    epsm = stats[:, 3:6] / cnt

    msk_c = mask_c_ref[...]
    onehot = (msk_c == lax.broadcasted_iota(
        jnp.int32, (NBLK_N, B), 1)).astype(_f32)

    posc = pos_ref[...] - jnp.dot(onehot, posm, preferred_element_type=_f32)
    ep = eps_ref[...]
    ep3 = ep[:, :POS_DIM]
    eph = ep[:, POS_DIM:]
    epsc = ep3 - jnp.dot(onehot, epsm, preferred_element_type=_f32)

    t = t_ref[...]
    gt = G0 + (G1 - G0) * t
    alpha = jnp.sqrt(jax.nn.sigmoid(-gt))
    sigma = jnp.sqrt(jax.nn.sigmoid(gt))
    al = jnp.dot(onehot, alpha, preferred_element_type=_f32)
    sg = jnp.dot(onehot, sigma, preferred_element_type=_f32)

    zx = al * posc + sg * epsc
    zh = al * h_ref[...] + sg * eph

    tn = jnp.dot(onehot, t, preferred_element_type=_f32)
    cn = jnp.dot(onehot, cond_ref[...], preferred_element_type=_f32)
    h0 = (jnp.dot(zh, We_ref[...], preferred_element_type=_f32)
          + tn * Wt_ref[...] + cn * Wcnd_ref[...])

    Wm1 = Wm1_ref[...]
    A = jnp.dot(h0, Wm1[0:HID], preferred_element_type=_f32) + bm1_ref[...]
    Bt = jnp.dot(h0, Wm1[HID:2 * HID], preferred_element_type=_f32)

    epsc_ref[...] = epsc
    h0_ref[...] = h0
    tsrc_ref[...] = A
    tdst_ref[...] = Bt
    zx_ref[...] = zx


def _pre(stats, t, cond, pos, h, eps, mask_c, We, Wt, Wcnd, Wm1, bm1):
    full = lambda r, c: pl.BlockSpec((r, c), lambda i: (0, 0))
    return pl.pallas_call(
        _pre_body,
        grid=(NGB,),
        in_specs=[
            full(B, 8),
            full(B, 1),
            full(B, 1),
            pl.BlockSpec((NBLK_N, POS_DIM), lambda i: (i, 0)),
            pl.BlockSpec((NBLK_N, HF), lambda i: (i, 0)),
            pl.BlockSpec((NBLK_N, NF), lambda i: (i, 0)),
            pl.BlockSpec((NBLK_N, 1), lambda i: (i, 0)),
            full(HF, HID),
            full(1, HID),
            full(1, HID),
            full(2 * HID + 1, HID),
            full(1, HID),
        ],
        out_specs=[
            pl.BlockSpec((NBLK_N, POS_DIM), lambda i: (i, 0)),
            pl.BlockSpec((NBLK_N, HID), lambda i: (i, 0)),
            pl.BlockSpec((NBLK_N, HID), lambda i: (i, 0)),
            pl.BlockSpec((NBLK_N, HID), lambda i: (i, 0)),
            pl.BlockSpec((NBLK_N, POS_DIM), lambda i: (i, 0)),
        ],
        out_shape=[
            jax.ShapeDtypeStruct((N, POS_DIM), _f32),
            jax.ShapeDtypeStruct((N, HID), _f32),
            jax.ShapeDtypeStruct((N, HID), _f32),
            jax.ShapeDtypeStruct((N, HID), _f32),
            jax.ShapeDtypeStruct((N, POS_DIM), _f32),
        ],
    )(stats, t, cond, pos, h, eps, mask_c, We, Wt, Wcnd, Wm1, bm1)


def _sc_gather(tsrc, tdst, x0, x1, x2, src, dst):
    mesh = plsc.VectorSubcoreMesh(core_axis_name="c", subcore_axis_name="s")

    @functools.partial(
        pl.kernel,
        out_type=[jax.ShapeDtypeStruct((E, HID), _f32),
                  jax.ShapeDtypeStruct((E, HID), _f32),
                  jax.ShapeDtypeStruct((E,), _f32),
                  jax.ShapeDtypeStruct((E,), _f32),
                  jax.ShapeDtypeStruct((E,), _f32),
                  jax.ShapeDtypeStruct((E,), _f32)],
        mesh=mesh,
        scratch_types=[
            pltpu.VMEM((KE,), jnp.int32),
            pltpu.VMEM((KE,), jnp.int32),
            pltpu.VMEM((KE, HID), _f32),
            pltpu.VMEM((KE, HID), _f32),
            pltpu.VMEM((N,), _f32),
            pltpu.VMEM((N,), _f32),
            pltpu.VMEM((N,), _f32),
            pltpu.VMEM((KE,), _f32),
            pltpu.VMEM((KE,), _f32),
            pltpu.VMEM((KE,), _f32),
            pltpu.VMEM((KE,), _f32),
            pltpu.SemaphoreType.DMA,
            pltpu.SemaphoreType.DMA,
        ],
        compiler_params=pltpu.CompilerParams(use_tc_tiling_on_sc=True,
                                             needs_layout_passes=False),
    )
    def gather_k(tsrc_hbm, tdst_hbm, x0_hbm, x1_hbm, x2_hbm, src_hbm, dst_hbm,
                 gs_hbm, gd_hbm, rx_hbm, ry_hbm, rz_hbm, d2_hbm,
                 idx_s, idx_d, rows_s, rows_d, xv0, xv1, xv2,
                 rbx, rby, rbz, rb2, sem_s, sem_d):
        wid = lax.axis_index("s") * NC + lax.axis_index("c")
        base0 = wid * EPW
        pltpu.sync_copy(x0_hbm, xv0)
        pltpu.sync_copy(x1_hbm, xv1)
        pltpu.sync_copy(x2_hbm, xv2)

        def body(j, _):
            base = base0 + j * KE
            pltpu.sync_copy(src_hbm.at[pl.ds(base, KE)], idx_s)
            pltpu.sync_copy(dst_hbm.at[pl.ds(base, KE)], idx_d)
            cs = pltpu.async_copy(tsrc_hbm.at[idx_s], rows_s, sem_s)
            cd = pltpu.async_copy(tdst_hbm.at[idx_d], rows_d, sem_d)
            for g in range(KE // 16):
                sl = pl.ds(g * 16, 16)
                iv_s = idx_s[sl]
                iv_d = idx_d[sl]
                rx = (plsc.load_gather(xv0, [iv_s])
                      - plsc.load_gather(xv0, [iv_d]))
                ry = (plsc.load_gather(xv1, [iv_s])
                      - plsc.load_gather(xv1, [iv_d]))
                rz = (plsc.load_gather(xv2, [iv_s])
                      - plsc.load_gather(xv2, [iv_d]))
                rbx[sl] = rx
                rby[sl] = ry
                rbz[sl] = rz
                rb2[sl] = rx * rx + ry * ry + rz * rz
            cs.wait()
            cd.wait()
            pltpu.sync_copy(rows_s, gs_hbm.at[pl.ds(base, KE)])
            pltpu.sync_copy(rows_d, gd_hbm.at[pl.ds(base, KE)])
            pltpu.sync_copy(rbx, rx_hbm.at[pl.ds(base, KE)])
            pltpu.sync_copy(rby, ry_hbm.at[pl.ds(base, KE)])
            pltpu.sync_copy(rbz, rz_hbm.at[pl.ds(base, KE)])
            pltpu.sync_copy(rb2, d2_hbm.at[pl.ds(base, KE)])
            return 0

        lax.fori_loop(0, NBLK, body, 0)

    return gather_k(tsrc, tdst, x0, x1, x2, src, dst)


def _edge_body(gs_ref, gd_ref, rx_ref, ry_ref, rz_ref, d2_ref,
               Wm2_ref, bm2_ref, wx_ref, wd2_ref,
               m_ref, cx_ref, cy_ref, cz_ref):
    d2r = d2_ref[0]
    outer = lax.dot_general(d2r, wd2_ref[...],
                            (((0,), (0,)), ((), ())),
                            preferred_element_type=_f32)
    q = jnp.maximum(gs_ref[...] + gd_ref[...] + outer, 0.0)
    m = jnp.maximum(jnp.dot(q, Wm2_ref[...], preferred_element_type=_f32)
                    + bm2_ref[...], 0.0)
    srow = jnp.tanh(lax.dot_general(wx_ref[...], m,
                                    (((1,), (1,)), ((), ())),
                                    preferred_element_type=_f32))
    m_ref[...] = m
    cx_ref[0] = rx_ref[0] * srow
    cy_ref[0] = ry_ref[0] * srow
    cz_ref[0] = rz_ref[0] * srow


def _edge_mlp(gs, gd, rx, ry, rz, d2, Wm2, bm2, wx, wd2):
    row = pl.BlockSpec((1, 1, EBLK), lambda i: (i, 0, 0))
    return pl.pallas_call(
        _edge_body,
        grid=(NEB,),
        in_specs=[
            pl.BlockSpec((EBLK, HID), lambda i: (i, 0)),
            pl.BlockSpec((EBLK, HID), lambda i: (i, 0)),
            row, row, row, row,
            pl.BlockSpec((HID, HID), lambda i: (0, 0)),
            pl.BlockSpec((1, HID), lambda i: (0, 0)),
            pl.BlockSpec((1, HID), lambda i: (0, 0)),
            pl.BlockSpec((1, HID), lambda i: (0, 0)),
        ],
        out_specs=[pl.BlockSpec((EBLK, HID), lambda i: (i, 0)),
                   row, row, row],
        out_shape=[jax.ShapeDtypeStruct((E, HID), _f32),
                   jax.ShapeDtypeStruct((NEB, 1, EBLK), _f32),
                   jax.ShapeDtypeStruct((NEB, 1, EBLK), _f32),
                   jax.ShapeDtypeStruct((NEB, 1, EBLK), _f32)],
    )(gs, gd, rx, ry, rz, d2, Wm2, bm2, wx, wd2)


def _sc_scatter(rows, dst, zeros_n):
    mesh = plsc.VectorSubcoreMesh(core_axis_name="c", subcore_axis_name="s")

    @functools.partial(
        pl.kernel,
        out_type=jax.ShapeDtypeStruct((NC * N, HID), _f32),
        mesh=mesh,
        scratch_types=[
            pltpu.VMEM((KE,), jnp.int32),
            pltpu.VMEM((KE, HID), _f32),
            pltpu.MemorySpace.VMEM_SHARED((N, HID), _f32),
        ],
        compiler_params=pltpu.CompilerParams(use_tc_tiling_on_sc=True),
    )
    def scatter_k(rows_hbm, dst_hbm, zeros_hbm, out_hbm, idx_d, buf, acc):
        cid = lax.axis_index("c")
        sid = lax.axis_index("s")
        wid = sid * NC + cid
        base0 = wid * EPW

        @pl.when(sid == 0)
        def _():
            pltpu.sync_copy(zeros_hbm, acc)

        plsc.subcore_barrier()

        def body(j, _):
            base = base0 + j * KE
            pltpu.sync_copy(dst_hbm.at[pl.ds(base, KE)], idx_d)
            pltpu.sync_copy(rows_hbm.at[pl.ds(base, KE)], buf)
            pltpu.sync_copy(buf, acc.at[idx_d], add=True)
            return 0

        lax.fori_loop(0, NBLK, body, 0)
        plsc.subcore_barrier()

        @pl.when(sid == 0)
        def _():
            pltpu.sync_copy(acc, out_hbm.at[pl.ds(cid * N, N)])

    return scatter_k(rows, dst, zeros_n)


def _sc_cscatter(cx, cy, cz, dst):
    mesh = plsc.VectorSubcoreMesh(core_axis_name="c", subcore_axis_name="s")

    @functools.partial(
        pl.kernel,
        out_type=jax.ShapeDtypeStruct((NW * CW, N), _f32),
        mesh=mesh,
        scratch_types=[
            pltpu.VMEM((KE,), jnp.int32),
            pltpu.VMEM((KE,), _f32),
            pltpu.VMEM((KE,), _f32),
            pltpu.VMEM((KE,), _f32),
            pltpu.VMEM((CW, N), _f32),
        ],
        compiler_params=pltpu.CompilerParams(use_tc_tiling_on_sc=False,
                                             needs_layout_passes=False),
    )
    def cscatter_k(cx_hbm, cy_hbm, cz_hbm, dst_hbm, out_hbm,
                   idx_d, cbx, cby, cbz, acc):
        cid = lax.axis_index("c")
        sid = lax.axis_index("s")
        wid = sid * NC + cid
        base0 = wid * EPW

        zv = jnp.zeros((16,), _f32)
        cvecs = [jnp.full((16,), c, jnp.int32) for c in range(POS_DIM)]

        def zbody(j, _):
            for c in range(POS_DIM):
                acc[c, pl.ds(j * 16, 16)] = zv
            return 0

        lax.fori_loop(0, N // 16, zbody, 0)

        def body(j, _):
            base = base0 + j * KE
            pltpu.sync_copy(dst_hbm.at[pl.ds(base, KE)], idx_d)
            pltpu.sync_copy(cx_hbm.at[pl.ds(base, KE)], cbx)
            pltpu.sync_copy(cy_hbm.at[pl.ds(base, KE)], cby)
            pltpu.sync_copy(cz_hbm.at[pl.ds(base, KE)], cbz)
            for g in range(KE // 16):
                sl = pl.ds(g * 16, 16)
                iv_d = idx_d[sl]
                plsc.addupdate_scatter(acc, [cvecs[0], iv_d], cbx[sl])
                plsc.addupdate_scatter(acc, [cvecs[1], iv_d], cby[sl])
                plsc.addupdate_scatter(acc, [cvecs[2], iv_d], cbz[sl])
            return 0

        lax.fori_loop(0, NBLK, body, 0)
        pltpu.sync_copy(acc, out_hbm.at[pl.ds(wid * CW, CW)])

    return cscatter_k(cx, cy, cz, dst)


def _xstats_body(px_ref, mask_rw_ref, stats_ref, xagg_ref):
    xrow = jnp.sum(px_ref[...], axis=0)[:POS_DIM]
    msk_r = mask_rw_ref[...]
    onehotT = (lax.broadcasted_iota(jnp.int32, (B, N), 0)
               == msk_r).astype(_f32)
    xsum = lax.dot_general(onehotT, xrow, (((1,), (1,)), ((), ())),
                           preferred_element_type=_f32)
    cnt = jnp.sum(onehotT, axis=1, keepdims=True)
    stats_ref[...] = jnp.concatenate(
        [xsum, cnt, jnp.zeros((B, 4), _f32)], axis=1)
    eye3 = (lax.broadcasted_iota(jnp.int32, (POS_DIM, POS_DIM), 0)
            == lax.broadcasted_iota(
                jnp.int32, (POS_DIM, POS_DIM), 1)).astype(_f32)
    xagg_ref[...] = lax.dot_general(xrow, eye3, (((0,), (0,)), ((), ())),
                                    preferred_element_type=_f32)


def _xstats(px32, mask_rw):
    return pl.pallas_call(
        _xstats_body,
        grid=(1,),
        in_specs=[
            pl.BlockSpec((NW, CW, N), lambda i: (0, 0, 0)),
            pl.BlockSpec((1, N), lambda i: (0, 0)),
        ],
        out_specs=[pl.BlockSpec((B, 8), lambda i: (0, 0)),
                   pl.BlockSpec((N, POS_DIM), lambda i: (0, 0))],
        out_shape=[jax.ShapeDtypeStruct((B, 8), _f32),
                   jax.ShapeDtypeStruct((N, POS_DIM), _f32)],
    )(px32, mask_rw)


def _post_body(stats_ref, pa_ref, pb_ref, xagg_ref, h0_ref, Wn1_ref,
               bn1_ref, Wn2_ref, bn2_ref, Wo_ref, bo_ref, mask_c_ref,
               mask_r_ref, epsc_ref, epsh_ref, err_ref, epos_ref, eh_ref):
    i = pl.program_id(0)

    @pl.when(i == 0)
    def _():
        err_ref[...] = jnp.zeros_like(err_ref)

    agg = pa_ref[...] + pb_ref[...]
    xagg = xagg_ref[...]

    h0 = h0_ref[...]
    Wn1 = Wn1_ref[...]
    pre = (jnp.dot(h0, Wn1[0:HID], preferred_element_type=_f32)
           + jnp.dot(agg, Wn1[HID:2 * HID], preferred_element_type=_f32)
           + bn1_ref[...])
    h1 = h0 + jnp.dot(jnp.maximum(pre, 0.0), Wn2_ref[...],
                      preferred_element_type=_f32) + bn2_ref[...]

    stats = stats_ref[...]
    cnt = jnp.maximum(stats[:, 3:4], 1.0)
    xm = stats[:, 0:3] / cnt

    msk_c = mask_c_ref[...]
    onehot = (msk_c == lax.broadcasted_iota(
        jnp.int32, (NBLK_N, B), 1)).astype(_f32)
    msk_r = mask_r_ref[0]
    onehotT = (lax.broadcasted_iota(jnp.int32, (B, NBLK_N), 0)
               == msk_r).astype(_f32)

    eps_pos = xagg - jnp.dot(onehot, xm, preferred_element_type=_f32)
    eps_h = jnp.dot(h1, Wo_ref[...], preferred_element_type=_f32) + bo_ref[...]

    perr = epsc_ref[...] - eps_pos
    herr = epsh_ref[...] - eps_h
    err = (jnp.sum(perr * perr, axis=1, keepdims=True)
           + jnp.sum(herr * herr, axis=1, keepdims=True))
    err_ref[...] += jnp.dot(onehotT, err, preferred_element_type=_f32)
    epos_ref[...] = eps_pos
    eh_ref[...] = eps_h


def _post(stats, pm, xagg, h0, Wn1, bn1, Wn2, bn2, Wo, bo, mask_c, mask_r,
          epsc, epsh):
    full = lambda r, c: pl.BlockSpec((r, c), lambda i: (0, 0))
    return pl.pallas_call(
        _post_body,
        grid=(NGB,),
        in_specs=[
            full(B, 8),
            pl.BlockSpec((NBLK_N, HID), lambda i: (i, 0)),
            pl.BlockSpec((NBLK_N, HID), lambda i: (i + NGB, 0)),
            pl.BlockSpec((NBLK_N, POS_DIM), lambda i: (i, 0)),
            pl.BlockSpec((NBLK_N, HID), lambda i: (i, 0)),
            full(2 * HID, HID),
            full(1, HID),
            full(HID, HID),
            full(1, HID),
            full(HID, HF),
            full(1, HF),
            pl.BlockSpec((NBLK_N, 1), lambda i: (i, 0)),
            pl.BlockSpec((1, 1, NBLK_N), lambda i: (i, 0, 0)),
            pl.BlockSpec((NBLK_N, POS_DIM), lambda i: (i, 0)),
            pl.BlockSpec((NBLK_N, HF), lambda i: (i, 0)),
        ],
        out_specs=[
            pl.BlockSpec((B, 1), lambda i: (0, 0)),
            pl.BlockSpec((NBLK_N, POS_DIM), lambda i: (i, 0)),
            pl.BlockSpec((NBLK_N, HF), lambda i: (i, 0)),
        ],
        out_shape=[
            jax.ShapeDtypeStruct((B, 1), _f32),
            jax.ShapeDtypeStruct((N, POS_DIM), _f32),
            jax.ShapeDtypeStruct((N, HF), _f32),
        ],
    )(stats, pm, pm, xagg, h0, Wn1, bn1, Wn2, bn2, Wo, bo, mask_c, mask_r,
      epsc, epsh)


def kernel(pos, h, conditions, t, eps, We, Wt, Wcnd, Wm1, bm1, Wm2, bm2,
           Wn1, bn1, Wn2, bn2, Wx, Wo, bo, mask, edge_index):
    mask = mask.astype(jnp.int32)
    mask_c = mask.reshape(N, 1)
    mask_r = mask.reshape(NGB, 1, NBLK_N)
    src = edge_index[0].astype(jnp.int32)
    dst = edge_index[1].astype(jnp.int32)

    stats, snr = _stats(pos, eps[:, :POS_DIM], mask_r, t)
    epsc, h0, tsrc, tdst, zx = _pre(
        stats, t, conditions, pos, h, eps, mask_c,
        We, Wt.reshape(1, HID), Wcnd.reshape(1, HID), Wm1, bm1.reshape(1, HID))

    gs, gd, relx, rely, relz, d2 = _sc_gather(
        tsrc, tdst, zx[:, 0], zx[:, 1], zx[:, 2], src, dst)
    mrows, cx, cy, cz = _edge_mlp(
        gs, gd,
        relx.reshape(NEB, 1, EBLK), rely.reshape(NEB, 1, EBLK),
        relz.reshape(NEB, 1, EBLK), d2.reshape(NEB, 1, EBLK),
        Wm2, bm2.reshape(1, HID), Wx.reshape(1, HID),
        Wm1[2 * HID].reshape(1, HID))
    pm = _sc_scatter(mrows, dst, jnp.zeros((N, HID), _f32))
    px32 = _sc_cscatter(cx.reshape(E), cy.reshape(E), cz.reshape(E), dst)

    xstats, xagg = _xstats(px32.reshape(NW, CW, N), mask.reshape(1, N))
    error_t, eps_pos, eps_h = _post(
        xstats, pm, xagg, h0, Wn1, bn1.reshape(1, HID), Wn2,
        bn2.reshape(1, HID),
        Wo, bo.reshape(1, HF), mask_c, mask_r, epsc, eps[:, POS_DIM:])

    net_eps_xh = jnp.concatenate([eps_pos, eps_h], axis=1)
    eps_xh = jnp.concatenate([epsc, eps[:, POS_DIM:]], axis=1)
    return (error_t.reshape(B), snr.reshape(B), net_eps_xh, eps_xh)

# --- scband reference (transcript-rebuilt; emitter-appended) ---
"""Pipeline reference for scband-en-variational-diffusion-15659450761926 (READ-ONLY COPY).

The authoritative reference and input builder live on the scoring server;
editing this copy changes nothing except your own understanding.
"""

import jax, jax.numpy as jnp
import numpy as np

N = 10000
E = 320000
B = 64
POS_DIM = 3
NF = 128
HF = NF - POS_DIM
HID = 128
T = 1000.0
GAMMA0 = -10.0
GAMMA1 = 10.0


def remove_mean_batch(x, mask, nseg):
    s = jax.ops.segment_sum(x, mask, num_segments=nseg)
    cnt = jax.ops.segment_sum(jnp.ones((x.shape[0], 1), x.dtype), mask, num_segments=nseg)
    mean = s / jnp.maximum(cnt, 1.0)
    return x - mean[mask]


def gamma_fn(t):
    return GAMMA0 + (GAMMA1 - GAMMA0) * t


def setup_inputs(seed: int = 0):
    key = jax.random.key(seed)
    ks = jax.random.split(key, 20)
    def w(i, shape, fan):
        return (jax.random.normal(ks[i], shape, dtype=jnp.float32) / np.sqrt(fan)).astype(jnp.float32)
    inp = {
        'pos': jax.random.normal(ks[0], (N, POS_DIM), dtype=jnp.float32),
        'h': jax.random.normal(ks[1], (N, HF), dtype=jnp.float32),
        'conditions': jax.random.normal(ks[2], (B, 1), dtype=jnp.float32),
        't': jax.random.uniform(ks[3], (B, 1), dtype=jnp.float32),
        'eps': jax.random.normal(ks[4], (N, NF), dtype=jnp.float32),
        'We': w(5, (HF, HID), HF),
        'Wt': w(6, (1, HID), 1),
        'Wcnd': w(7, (1, HID), 1),
        'Wm1': w(8, (2 * HID + 1, HID), 2 * HID + 1),
        'bm1': jnp.zeros((HID,), jnp.float32),
        'Wm2': w(9, (HID, HID), HID),
        'bm2': jnp.zeros((HID,), jnp.float32),
        'Wn1': w(10, (2 * HID, HID), 2 * HID),
        'bn1': jnp.zeros((HID,), jnp.float32),
        'Wn2': w(11, (HID, HID), HID),
        'bn2': jnp.zeros((HID,), jnp.float32),
        'Wx': w(12, (HID, 1), HID),
        'Wo': w(13, (HID, HF), HID),
        'bo': jnp.zeros((HF,), jnp.float32),
        'mask': jnp.sort(jax.random.randint(ks[14], (N,), 0, B)),
        'edge_index': jax.random.randint(ks[15], (2, E), 0, N),
    }
    return inp


def _dynamics(z_t, t, conditions, mask, edge_index, We, Wt, Wcnd, Wm1, bm1, Wm2, bm2, Wn1, bn1, Wn2, bn2, Wx, Wo, bo):
    x = z_t[:, :POS_DIM]
    hf = z_t[:, POS_DIM:]
    h0 = hf @ We + t[mask] @ Wt + conditions[mask] @ Wcnd
    src = edge_index[0]
    dst = edge_index[1]
    rel = x[src] - x[dst]
    d2 = jnp.sum(rel * rel, axis=1, keepdims=True)
    m_in = jnp.concatenate([h0[src], h0[dst], d2], axis=1)
    m = jax.nn.relu(m_in @ Wm1 + bm1)
    m = jax.nn.relu(m @ Wm2 + bm2)
    agg = jax.ops.segment_sum(m, dst, num_segments=z_t.shape[0])
    h1 = h0 + jax.nn.relu(jnp.concatenate([h0, agg], axis=1) @ Wn1 + bn1) @ Wn2 + bn2
    coord_msg = rel * jnp.tanh(m @ Wx)
    x_agg = jax.ops.segment_sum(coord_msg, dst, num_segments=z_t.shape[0])
    eps_pos = remove_mean_batch(x_agg, mask, B)
    eps_h = h1 @ Wo + bo
    return jnp.concatenate([eps_pos, eps_h], axis=1)


def reference(pos, h, conditions, t, eps, We, Wt, Wcnd, Wm1, bm1, Wm2, bm2, Wn1, bn1, Wn2, bn2, Wx, Wo, bo, mask, edge_index):
    pos = remove_mean_batch(pos, mask, B)
    xh = jnp.concatenate([pos, h], axis=1)
    gamma_t = gamma_fn(t)
    s = t - 1.0 / T
    gamma_s = gamma_fn(s)
    alpha_t = jnp.sqrt(jax.nn.sigmoid(-gamma_t))
    sigma_t = jnp.sqrt(jax.nn.sigmoid(gamma_t))
    eps_pos = remove_mean_batch(eps[:, :POS_DIM], mask, B)
    eps_xh = jnp.concatenate([eps_pos, eps[:, POS_DIM:]], axis=1)
    z_t = alpha_t[mask] * xh + sigma_t[mask] * eps_xh
    net_eps_xh = _dynamics(z_t, t, conditions, mask, edge_index, We, Wt, Wcnd, Wm1, bm1, Wm2, bm2, Wn1, bn1, Wn2, bn2, Wx, Wo, bo)
    err = jnp.sum((eps_xh - net_eps_xh) ** 2, axis=1)
    error_t = jax.ops.segment_sum(err, mask, num_segments=B)
    SNR_weight = (1.0 - jnp.exp(-(gamma_s - gamma_t))).squeeze(1)
    return (error_t, SNR_weight, net_eps_xh, eps_xh)

if __name__ == "__main__":
    import jax
    _d = setup_inputs()
    print(jax.jit(kernel)(*tuple(_d.values())))

</pallas_src>

<mosaic_0001>
#map = affine_map<(d0, d1) -> (0, 0)>
#map1 = affine_map<(d0, d1) -> (0)>
module attributes {stable_mosaic.version = 14 : i64} {
  func.func @gather_k(%arg0: i32, %arg1: i32, %arg2: memref<10000x128xf32, #tpu.memory_space<hbm>>, %arg3: memref<10000x128xf32, #tpu.memory_space<hbm>>, %arg4: memref<10000xf32, #tpu.memory_space<hbm>>, %arg5: memref<10000xf32, #tpu.memory_space<hbm>>, %arg6: memref<10000xf32, #tpu.memory_space<hbm>>, %arg7: memref<320000xi32, #tpu.memory_space<hbm>>, %arg8: memref<320000xi32, #tpu.memory_space<hbm>>, %arg9: memref<320000x128xf32, #tpu.memory_space<hbm>>, %arg10: memref<320000x128xf32, #tpu.memory_space<hbm>>, %arg11: memref<320000xf32, #tpu.memory_space<hbm>>, %arg12: memref<320000xf32, #tpu.memory_space<hbm>>, %arg13: memref<320000xf32, #tpu.memory_space<hbm>>, %arg14: memref<320000xf32, #tpu.memory_space<hbm>>, %arg15: memref<80xi32, #tpu.memory_space<vmem>>, %arg16: memref<80xi32, #tpu.memory_space<vmem>>, %arg17: memref<80x128xf32, #tpu.memory_space<vmem>>, %arg18: memref<80x128xf32, #tpu.memory_space<vmem>>, %arg19: memref<10000xf32, #tpu.memory_space<vmem>>, %arg20: memref<10000xf32, #tpu.memory_space<vmem>>, %arg21: memref<10000xf32, #tpu.memory_space<vmem>>, %arg22: memref<80xf32, #tpu.memory_space<vmem>>, %arg23: memref<80xf32, #tpu.memory_space<vmem>>, %arg24: memref<80xf32, #tpu.memory_space<vmem>>, %arg25: memref<80xf32, #tpu.memory_space<vmem>>, %arg26: memref<!tpu.dma_semaphore, #tpu.memory_space<semaphore_mem>>, %arg27: memref<!tpu.dma_semaphore, #tpu.memory_space<semaphore_mem>>) attributes {dimension_semantics = [#tpu.dimension_semantics<core_parallel>, #tpu.dimension_semantics<subcore_parallel>], iteration_bounds = array<i64: 2, 16>, scalar_prefetch = 0 : i64, scratch_operands = 13 : i64, tpu.core_type = #tpu.core_type<sc_vector_subcore>, window_params = [{transform_indices = #map}, {transform_indices = #map}, {transform_indices = #map1}, {transform_indices = #map1}, {transform_indices = #map1}, {transform_indices = #map1}, {transform_indices = #map1}, {transform_indices = #map}, {transform_indices = #map}, {transform_indices = #map1}, {transform_indices = #map1}, {transform_indices = #map1}, {transform_indices = #map1}]} {
    %mul3A = arith.constant 2 : i32
    %mul3A_0 = arith.muli %arg1, %mul3A : i32
    %add3A = arith.addi %mul3A_0, %arg0 : i32
    %mul3A_1 = arith.constant 10000 : i32
    %mul3A_2 = arith.muli %add3A, %mul3A_1 : i32
    "tpu.region"() ({
      %run_scoped3A = tpu.sem_alloc : memref<!tpu.dma_semaphore, #tpu.memory_space<semaphore_mem>>
      tpu.enqueue_dma source(%arg4 : memref<10000xf32, #tpu.memory_space<hbm>>) target(%arg19 : memref<10000xf32, #tpu.memory_space<vmem>>) target_semaphore(%run_scoped3A : memref<!tpu.dma_semaphore, #tpu.memory_space<semaphore_mem>>)
      tpu.wait_dma2 semaphore(%run_scoped3A : memref<!tpu.dma_semaphore, #tpu.memory_space<semaphore_mem>>) src(%arg4 : memref<10000xf32, #tpu.memory_space<hbm>>) dst(%arg19 : memref<10000xf32, #tpu.memory_space<vmem>>)
      tpu.yield
    }) : () -> ()
    "tpu.region"() ({
      %run_scoped3A = tpu.sem_alloc : memref<!tpu.dma_semaphore, #tpu.memory_space<semaphore_mem>>
      tpu.enqueue_dma source(%arg5 : memref<10000xf32, #tpu.memory_space<hbm>>) target(%arg20 : memref<10000xf32, #tpu.memory_space<vmem>>) target_semaphore(%run_scoped3A : memref<!tpu.dma_semaphore, #tpu.memory_space<semaphore_mem>>)
      tpu.wait_dma2 semaphore(%run_scoped3A : memref<!tpu.dma_semaphore, #tpu.memory_space<semaphore_mem>>) src(%arg5 : memref<10000xf32, #tpu.memory_space<hbm>>) dst(%arg20 : memref<10000xf32, #tpu.memory_space<vmem>>)
      tpu.yield
    }) : () -> ()
    "tpu.region"() ({
      %run_scoped3A = tpu.sem_alloc : memref<!tpu.dma_semaphore, #tpu.memory_space<semaphore_mem>>
      tpu.enqueue_dma source(%arg6 : memref<10000xf32, #tpu.memory_space<hbm>>) target(%arg21 : memref<10000xf32, #tpu.memory_space<vmem>>) target_semaphore(%run_scoped3A : memref<!tpu.dma_semaphore, #tpu.memory_space<semaphore_mem>>)
      tpu.wait_dma2 semaphore(%run_scoped3A : memref<!tpu.dma_semaphore, #tpu.memory_space<semaphore_mem>>) src(%arg6 : memref<10000xf32, #tpu.memory_space<hbm>>) dst(%arg21 : memref<10000xf32, #tpu.memory_space<vmem>>)
      tpu.yield
    }) : () -> ()
    %scan3A = arith.constant 0 : i32
    %scan3A_3 = arith.constant 0 : i32
    %scan3A_4 = arith.constant 125 : i32
    %scan3A_5 = arith.addi %scan3A_3, %scan3A_4 : i32
    %scan3A_6 = arith.constant 1 : i32
    %scan3A_7 = scf.for %scan3A_9 = %scan3A_3 to %scan3A_5 step %scan3A_6 iter_args(%scan3A_10 = %scan3A) -> (i32)  : i32 {
      %mul3A_11 = arith.constant 80 : i32
      %mul3A_12 = arith.muli %scan3A_9, %mul3A_11 : i32
      %add3A_13 = arith.addi %mul3A_2, %mul3A_12 : i32
      "tpu.region"() ({
        %run_scoped3A = tpu.sem_alloc : memref<!tpu.dma_semaphore, #tpu.memory_space<semaphore_mem>>
        %dma_start3A_151 = tpu.memref_slice %arg7[%add3A_13] : memref<320000xi32, #tpu.memory_space<hbm>> -> memref<80xi32, #tpu.memory_space<hbm>>
        %dma_start3A_152 = tpu.memref_slice %arg7[%add3A_13] : memref<320000xi32, #tpu.memory_space<hbm>> -> memref<80xi32, #tpu.memory_space<hbm>>
        tpu.enqueue_dma source(%dma_start3A_152 : memref<80xi32, #tpu.memory_space<hbm>>) target(%arg15 : memref<80xi32, #tpu.memory_space<vmem>>) target_semaphore(%run_scoped3A : memref<!tpu.dma_semaphore, #tpu.memory_space<semaphore_mem>>)
        %dma_wait3A_153 = tpu.memref_slice %arg7[%add3A_13] : memref<320000xi32, #tpu.memory_space<hbm>> -> memref<80xi32, #tpu.memory_space<hbm>>
        %dma_wait3A_154 = tpu.memref_slice %arg7[%add3A_13] : memref<320000xi32, #tpu.memory_space<hbm>> -> memref<80xi32, #tpu.memory_space<hbm>>
        tpu.wait_dma2 semaphore(%run_scoped3A : memref<!tpu.dma_semaphore, #tpu.memory_space<semaphore_mem>>) src(%dma_wait3A_154 : memref<80xi32, #tpu.memory_space<hbm>>) dst(%arg15 : memref<80xi32, #tpu.memory_space<vmem>>)
        tpu.yield
      }) : () -> ()
      "tpu.region"() ({
        %run_scoped3A = tpu.sem_alloc : memref<!tpu.dma_semaphore, #tpu.memory_space<semaphore_mem>>
        %dma_start3A_151 = tpu.memref_slice %arg8[%add3A_13] : memref<320000xi32, #tpu.memory_space<hbm>> -> memref<80xi32, #tpu.memory_space<hbm>>
        %dma_start3A_152 = tpu.memref_slice %arg8[%add3A_13] : memref<320000xi32, #tpu.memory_space<hbm>> -> memref<80xi32, #tpu.memory_space<hbm>>
        tpu.enqueue_dma source(%dma_start3A_152 : memref<80xi32, #tpu.memory_space<hbm>>) target(%arg16 : memref<80xi32, #tpu.memory_space<vmem>>) target_semaphore(%run_scoped3A : memref<!tpu.dma_semaphore, #tpu.memory_space<semaphore_mem>>)
        %dma_wait3A_153 = tpu.memref_slice %arg8[%add3A_13] : memref<320000xi32, #tpu.memory_space<hbm>> -> memref<80xi32, #tpu.memory_space<hbm>>
        %dma_wait3A_154 = tpu.memref_slice %arg8[%add3A_13] : memref<320000xi32, #tpu.memory_space<hbm>> -> memref<80xi32, #tpu.memory_space<hbm>>
        tpu.wait_dma2 semaphore(%run_scoped3A : memref<!tpu.dma_semaphore, #tpu.memory_space<semaphore_mem>>) src(%dma_wait3A_154 : memref<80xi32, #tpu.memory_space<hbm>>) dst(%arg16 : memref<80xi32, #tpu.memory_space<vmem>>)
        tpu.yield
      }) : () -> ()
      %dma_start3A = arith.constant 0 : i32
      %dma_start3A_14 = arith.constant 0 : i32
      %dma_start3A_15 = tpu.memref_slice %arg2[%dma_start3A, %dma_start3A_14] : memref<10000x128xf32, #tpu.memory_space<hbm>> -> memref<10000x128xf32, #tpu.memory_space<hbm>>
      tpu.enqueue_indirect_dma source(%dma_start3A_15 : memref<10000x128xf32, #tpu.memory_space<hbm>>) target(%arg17 : memref<80x128xf32, #tpu.memory_space<vmem>>) offsets(%arg15 : memref<80xi32, #tpu.memory_space<vmem>>) semaphore(%arg26 : memref<!tpu.dma_semaphore, #tpu.memory_space<semaphore_mem>>)
      %dma_start3A_16 = arith.constant 0 : i32
      %dma_start3A_17 = arith.constant 0 : i32
      %dma_start3A_18 = tpu.memref_slice %arg3[%dma_start3A_16, %dma_start3A_17] : memref<10000x128xf32, #tpu.memory_space<hbm>> -> memref<10000x128xf32, #tpu.memory_space<hbm>>
      tpu.enqueue_indirect_dma source(%dma_start3A_18 : memref<10000x128xf32, #tpu.memory_space<hbm>>) target(%arg18 : memref<80x128xf32, #tpu.memory_space<vmem>>) offsets(%arg16 : memref<80xi32, #tpu.memory_space<vmem>>) semaphore(%arg27 : memref<!tpu.dma_semaphore, #tpu.memory_space<semaphore_mem>>)
      %get3A = arith.constant 0 : index
      %get3A_19 = tpu.vector_load %arg15[%get3A] {strides = array<i32>} : memref<80xi32, #tpu.memory_space<vmem>>, vector<16xi32>,
      %get3A_20 = arith.constant 0 : index
      %get3A_21 = tpu.vector_load %arg16[%get3A_20] {strides = array<i32>} : memref<80xi32, #tpu.memory_space<vmem>>, vector<16xi32>,
      %gather3A = tpu.vector_load_idx %arg19[%get3A_19] : memref<10000xf32, #tpu.memory_space<vmem>>[vector<16xi32>], vector<16xf32>,
      %gather3A_22 = tpu.vector_load_idx %arg19[%get3A_21] : memref<10000xf32, #tpu.memory_space<vmem>>[vector<16xi32>], vector<16xf32>,
      %sub3A = arith.subf %gather3A, %gather3A_22 : vector<16xf32>
      %gather3A_23 = tpu.vector_load_idx %arg20[%get3A_19] : memref<10000xf32, #tpu.memory_space<vmem>>[vector<16xi32>], vector<16xf32>,
      %gather3A_24 = tpu.vector_load_idx %arg20[%get3A_21] : memref<10000xf32, #tpu.memory_space<vmem>>[vector<16xi32>], vector<16xf32>,
      %sub3A_25 = arith.subf %gather3A_23, %gather3A_24 : vector<16xf32>
      %gather3A_26 = tpu.vector_load_idx %arg21[%get3A_19] : memref<10000xf32, #tpu.memory_space<vmem>>[vector<16xi32>], vector<16xf32>,
      %gather3A_27 = tpu.vector_load_idx %arg21[%get3A_21] : memref<10000xf32, #tpu.memory_space<vmem>>[vector<16xi32>], vector<16xf32>,
      %sub3A_28 = arith.subf %gather3A_26, %gather3A_27 : vector<16xf32>
      %swap3A = arith.constant 0 : index
      %swap3A_29 = tpu.vector_load %arg22[%swap3A] {strides = array<i32>} : memref<80xf32, #tpu.memory_space<vmem>>, vector<16xf32>,
      tpu.vector_store %arg22[%swap3A], %sub3A {strides = array<i32>} : memref<80xf32, #tpu.memory_space<vmem>>, vector<16xf32>,
      %swap3A_30 = arith.constant 0 : index
      %swap3A_31 = tpu.vector_load %arg23[%swap3A_30] {strides = array<i32>} : memref<80xf32, #tpu.memory_space<vmem>>, vector<16xf32>,
      tpu.vector_store %arg23[%swap3A_30], %sub3A_25 {strides = array<i32>} : memref<80xf32, #tpu.memory_space<vmem>>, vector<16xf32>,
      %swap3A_32 = arith.constant 0 : index
      %swap3A_33 = tpu.vector_load %arg24[%swap3A_32] {strides = array<i32>} : memref<80xf32, #tpu.memory_space<vmem>>, vector<16xf32>,
      tpu.vector_store %arg24[%swap3A_32], %sub3A_28 {strides = array<i32>} : memref<80xf32, #tpu.memory_space<vmem>>, vector<16xf32>,
      %mul3A_34 = arith.mulf %sub3A, %sub3A : vector<16xf32>
      %mul3A_35 = arith.mulf %sub3A_25, %sub3A_25 : vector<16xf32>
      %add3A_36 = arith.addf %mul3A_34, %mul3A_35 : vector<16xf32>
      %mul3A_37 = arith.mulf %sub3A_28, %sub3A_28 : vector<16xf32>
      %add3A_38 = arith.addf %add3A_36, %mul3A_37 : vector<16xf32>
      %swap3A_39 = arith.constant 0 : index
      %swap3A_40 = tpu.vector_load %arg25[%swap3A_39] {strides = array<i32>} : memref<80xf32, #tpu.memory_space<vmem>>, vector<16xf32>,
      tpu.vector_store %arg25[%swap3A_39], %add3A_38 {strides = array<i32>} : memref<80xf32, #tpu.memory_space<vmem>>, vector<16xf32>,
      %get3A_41 = arith.constant 16 : index
      %get3A_42 = tpu.vector_load %arg15[%get3A_41] {strides = array<i32>} : memref<80xi32, #tpu.memory_space<vmem>>, vector<16xi32>,
      %get3A_43 = arith.constant 16 : index
      %get3A_44 = tpu.vector_load %arg16[%get3A_43] {strides = array<i32>} : memref<80xi32, #tpu.memory_space<vmem>>, vector<16xi32>,
      %gather3A_45 = tpu.vector_load_idx %arg19[%get3A_42] : memref<10000xf32, #tpu.memory_space<vmem>>[vector<16xi32>], vector<16xf32>,
      %gather3A_46 = tpu.vector_load_idx %arg19[%get3A_44] : memref<10000xf32, #tpu.memory_space<vmem>>[vector<16xi32>], vector<16xf32>,
      %sub3A_47 = arith.subf %gather3A_45, %gather3A_46 : vector<16xf32>
      %gather3A_48 = tpu.vector_load_idx %arg20[%get3A_42] : memref<10000xf32, #tpu.memory_space<vmem>>[vector<16xi32>], vector<16xf32>,
      %gather3A_49 = tpu.vector_load_idx %arg20[%get3A_44] : memref<10000xf32, #tpu.memory_space<vmem>>[vector<16xi32>], vector<16xf32>,
      %sub3A_50 = arith.subf %gather3A_48, %gather3A_49 : vector<16xf32>
      %gather3A_51 = tpu.vector_load_idx %arg21[%get3A_42] : memref<10000xf32, #tpu.memory_space<vmem>>[vector<16xi32>], vector<16xf32>,
      %gather3A_52 = tpu.vector_load_idx %arg21[%get3A_44] : memref<10000xf32, #tpu.memory_space<vmem>>[vector<16xi32>], vector<16xf32>,
      %sub3A_53 = arith.subf %gather3A_51, %gather3A_52 : vector<16xf32>
      %swap3A_54 = arith.constant 16 : index
      %swap3A_55 = tpu.vector_load %arg22[%swap3A_54] {strides = array<i32>} : memref<80xf32, #tpu.memory_space<vmem>>, vector<16xf32>,
      tpu.vector_store %arg22[%swap3A_54], %sub3A_47 {strides = array<i32>} : memref<80xf32, #tpu.memory_space<vmem>>, vector<16xf32>,
      %swap3A_56 = arith.constant 16 : index
      %swap3A_57 = tpu.vector_load %arg23[%swap3A_56] {strides = array<i32>} : memref<80xf32, #tpu.memory_space<vmem>>, vector<16xf32>,
      tpu.vector_store %arg23[%swap3A_56], %sub3A_50 {strides = array<i32>} : memref<80xf32, #tpu.memory_space<vmem>>, vector<16xf32>,
      %swap3A_58 = arith.constant 16 : index
      %swap3A_59 = tpu.vector_load %arg24[%swap3A_58] {strides = array<i32>} : memref<80xf32, #tpu.memory_space<vmem>>, vector<16xf32>,
      tpu.vector_store %arg24[%swap3A_58], %sub3A_53 {strides = array<i32>} : memref<80xf32, #tpu.memory_space<vmem>>, vector<16xf32>,
      %mul3A_60 = arith.mulf %sub3A_47, %sub3A_47 : vector<16xf32>
      %mul3A_61 = arith.mulf %sub3A_50, %sub3A_50 : vector<16xf32>
      %add3A_62 = arith.addf %mul3A_60, %mul3A_61 : vector<16xf32>
      %mul3A_63 = arith.mulf %sub3A_53, %sub3A_53 : vector<16xf32>
      %add3A_64 = arith.addf %add3A_62, %mul3A_63 : vector<16xf32>
      %swap3A_65 = arith.constant 16 : index
      %swap3A_66 = tpu.vector_load %arg25[%swap3A_65] {strides = array<i32>} : memref<80xf32, #tpu.memory_space<vmem>>, vector<16xf32>,
      tpu.vector_store %arg25[%swap3A_65], %add3A_64 {strides = array<i32>} : memref<80xf32, #tpu.memory_space<vmem>>, vector<16xf32>,
      %get3A_67 = arith.constant 32 : index
      %get3A_68 = tpu.vector_load %arg15[%get3A_67] {strides = array<i32>} : memref<80xi32, #tpu.memory_space<vmem>>, vector<16xi32>,
      %get3A_69 = arith.constant 32 : index
      %get3A_70 = tpu.vector_load %arg16[%get3A_69] {strides = array<i32>} : memref<80xi32, #tpu.memory_space<vmem>>, vector<16xi32>,
      %gather3A_71 = tpu.vector_load_idx %arg19[%get3A_68] : memref<10000xf32, #tpu.memory_space<vmem>>[vector<16xi32>], vector<16xf32>,
      %gather3A_72 = tpu.vector_load_idx %arg19[%get3A_70] : memref<10000xf32, #tpu.memory_space<vmem>>[vector<16xi32>], vector<16xf32>,
      %sub3A_73 = arith.subf %gather3A_71, %gather3A_72 : vector<16xf32>
      %gather3A_74 = tpu.vector_load_idx %arg20[%get3A_68] : memref<10000xf32, #tpu.memory_space<vmem>>[vector<16xi32>], vector<16xf32>,
      %gather3A_75 = tpu.vector_load_idx %arg20[%get3A_70] : memref<10000xf32, #tpu.memory_space<vmem>>[vector<16xi32>], vector<16xf32>,
      %sub3A_76 = arith.subf %gather3A_74, %gather3A_75 : vector<16xf32>
      %gather3A_77 = tpu.vector_load_idx %arg21[%get3A_68] : memref<10000xf32, #tpu.memory_space<vmem>>[vector<16xi32>], vector<16xf32>,
      %gather3A_78 = tpu.vector_load_idx %arg21[%get3A_70] : memref<10000xf32, #tpu.memory_space<vmem>>[vector<16xi32>], vector<16xf32>,
      %sub3A_79 = arith.subf %gather3A_77, %gather3A_78 : vector<16xf32>
      %swap3A_80 = arith.constant 32 : index
      %swap3A_81 = tpu.vector_load %arg22[%swap3A_80] {strides = array<i32>} : memref<80xf32, #tpu.memory_space<vmem>>, vector<16xf32>,
      tpu.vector_store %arg22[%swap3A_80], %sub3A_73 {strides = array<i32>} : memref<80xf32, #tpu.memory_space<vmem>>, vector<16xf32>,
      %swap3A_82 = arith.constant 32 : index
      %swap3A_83 = tpu.vector_load %arg23[%swap3A_82] {strides = array<i32>} : memref<80xf32, #tpu.memory_space<vmem>>, vector<16xf32>,
      tpu.vector_store %arg23[%swap3A_82], %sub3A_76 {strides = array<i32>} : memref<80xf32, #tpu.memory_space<vmem>>, vector<16xf32>,
      %swap3A_84 = arith.constant 32 : index
      %swap3A_85 = tpu.vector_load %arg24[%swap3A_84] {strides = array<i32>} : memref<80xf32, #tpu.memory_space<vmem>>, vector<16xf32>,
      tpu.vector_store %arg24[%swap3A_84], %sub3A_79 {strides = array<i32>} : memref<80xf32, #tpu.memory_space<vmem>>, vector<16xf32>,
      %mul3A_86 = arith.mulf %sub3A_73, %sub3A_73 : vector<16xf32>
      %mul3A_87 = arith.mulf %sub3A_76, %sub3A_76 : vector<16xf32>
      %add3A_88 = arith.addf %mul3A_86, %mul3A_87 : vector<16xf32>
      %mul3A_89 = arith.mulf %sub3A_79, %sub3A_79 : vector<16xf32>
      %add3A_90 = arith.addf %add3A_88, %mul3A_89 : vector<16xf32>
      %swap3A_91 = arith.constant 32 : index
      %swap3A_92 = tpu.vector_load %arg25[%swap3A_91] {strides = array<i32>} : memref<80xf32, #tpu.memory_space<vmem>>, vector<16xf32>,
      tpu.vector_store %arg25[%swap3A_91], %add3A_90 {strides = array<i32>} : memref<80xf32, #tpu.memory_space<vmem>>, vector<16xf32>,
      %get3A_93 = arith.constant 48 : index
      %get3A_94 = tpu.vector_load %arg15[%get3A_93] {strides = array<i32>} : memref<80xi32, #tpu.memory_space<vmem>>, vector<16xi32>,
      %get3A_95 = arith.constant 48 : index
      %get3A_96 = tpu.vector_load %arg16[%get3A_95] {strides = array<i32>} : memref<80xi32, #tpu.memory_space<vmem>>, vector<16xi32>,
      %gather3A_97 = tpu.vector_load_idx %arg19[%get3A_94] : memref<10000xf32, #tpu.memory_space<vmem>>[vector<16xi32>], vector<16xf32>,
      %gather3A_98 = tpu.vector_load_idx %arg19[%get3A_96] : memref<10000xf32, #tpu.memory_space<vmem>>[vector<16xi32>], vector<16xf32>,
      %sub3A_99 = arith.subf %gather3A_97, %gather3A_98 : vector<16xf32>
      %gather3A_100 = tpu.vector_load_idx %arg20[%get3A_94] : memref<10000xf32, #tpu.memory_space<vmem>>[vector<16xi32>], vector<16xf32>,
      %gather3A_101 = tpu.vector_load_idx %arg20[%get3A_96] : memref<10000xf32, #tpu.memory_space<vmem>>[vector<16xi32>], vector<16xf32>,
      %sub3A_102 = arith.subf %gather3A_100, %gather3A_101 : vector<16xf32>
      %gather3A_103 = tpu.vector_load_idx %arg21[%get3A_94] : memref<10000xf32, #tpu.memory_space<vmem>>[vector<16xi32>], vector<16xf32>,
      %gather3A_104 = tpu.vector_load_idx %arg21[%get3A_96] : memref<10000xf32, #tpu.memory_space<vmem>>[vector<16xi32>], vector<16xf32>,
      %sub3A_105 = arith.subf %gather3A_103, %gather3A_104 : vector<16xf32>
      %swap3A_106 = arith.constant 48 : index
      %swap3A_107 = tpu.vector_load %arg22[%swap3A_106] {strides = array<i32>} : memref<80xf32, #tpu.memory_space<vmem>>, vector<16xf32>,
      tpu.vector_store %arg22[%swap3A_106], %sub3A_99 {strides = array<i32>} : memref<80xf32, #tpu.memory_space<vmem>>, vector<16xf32>,
      %swap3A_108 = arith.constant 48 : index
      %swap3A_109 = tpu.vector_load %arg23[%swap3A_108] {strides = array<i32>} : memref<80xf32, #tpu.memory_space<vmem>>, vector<16xf32>,
      tpu.vector_store %arg23[%swap3A_108], %sub3A_102 {strides = array<i32>} : memref<80xf32, #tpu.memory_space<vmem>>, vector<16xf32>,
      %swap3A_110 = arith.constant 48 : index
      %swap3A_111 = tpu.vector_load %arg24[%swap3A_110] {strides = array<i32>} : memref<80xf32, #tpu.memory_space<vmem>>, vector<16xf32>,
      tpu.vector_store %arg24[%swap3A_110], %sub3A_105 {strides = array<i32>} : memref<80xf32, #tpu.memory_space<vmem>>, vector<16xf32>,
      %mul3A_112 = arith.mulf %sub3A_99, %sub3A_99 : vector<16xf32>
      %mul3A_113 = arith.mulf %sub3A_102, %sub3A_102 : vector<16xf32>
      %add3A_114 = arith.addf %mul3A_112, %mul3A_113 : vector<16xf32>
      %mul3A_115 = arith.mulf %sub3A_105, %sub3A_105 : vector<16xf32>
      %add3A_116 = arith.addf %add3A_114, %mul3A_115 : vector<16xf32>
      %swap3A_117 = arith.constant 48 : index
      %swap3A_118 = tpu.vector_load %arg25[%swap3A_117] {strides = array<i32>} : memref<80xf32, #tpu.memory_space<vmem>>, vector<16xf32>,
      tpu.vector_store %arg25[%swap3A_117], %add3A_116 {strides = array<i32>} : memref<80xf32, #tpu.memory_space<vmem>>, vector<16xf32>,
      %get3A_119 = arith.constant 64 : index
      %get3A_120 = tpu.vector_load %arg15[%get3A_119] {strides = array<i32>} : memref<80xi32, #tpu.memory_space<vmem>>, vector<16xi32>,
      %get3A_121 = arith.constant 64 : index
      %get3A_122 = tpu.vector_load %arg16[%get3A_121] {strides = array<i32>} : memref<80xi32, #tpu.memory_space<vmem>>, vector<16xi32>,
      %gather3A_123 = tpu.vector_load_idx %arg19[%get3A_120] : memref<10000xf32, #tpu.memory_space<vmem>>[vector<16xi32>], vector<16xf32>,
      %gather3A_124 = tpu.vector_load_idx %arg19[%get3A_122] : memref<10000xf32, #tpu.memory_space<vmem>>[vector<16xi32>], vector<16xf32>,
      %sub3A_125 = arith.subf %gather3A_123, %gather3A_124 : vector<16xf32>
      %gather3A_126 = tpu.vector_load_idx %arg20[%get3A_120] : memref<10000xf32, #tpu.memory_space<vmem>>[vector<16xi32>], vector<16xf32>,
      %gather3A_127 = tpu.vector_load_idx %arg20[%get3A_122] : memref<10000xf32, #tpu.memory_space<vmem>>[vector<16xi32>], vector<16xf32>,
      %sub3A_128 = arith.subf %gather3A_126, %gather3A_127 : vector<16xf32>
      %gather3A_129 = tpu.vector_load_idx %arg21[%get3A_120] : memref<10000xf32, #tpu.memory_space<vmem>>[vector<16xi32>], vector<16xf32>,
      %gather3A_130 = tpu.vector_load_idx %arg21[%get3A_122] : memref<10000xf32, #tpu.memory_space<vmem>>[vector<16xi32>], vector<16xf32>,
      %sub3A_131 = arith.subf %gather3A_129, %gather3A_130 : vector<16xf32>
      %swap3A_132 = arith.constant 64 : index
      %swap3A_133 = tpu.vector_load %arg22[%swap3A_132] {strides = array<i32>} : memref<80xf32, #tpu.memory_space<vmem>>, vector<16xf32>,
      tpu.vector_store %arg22[%swap3A_132], %sub3A_125 {strides = array<i32>} : memref<80xf32, #tpu.memory_space<vmem>>, vector<16xf32>,
      %swap3A_134 = arith.constant 64 : index
      %swap3A_135 = tpu.vector_load %arg23[%swap3A_134] {strides = array<i32>} : memref<80xf32, #tpu.memory_space<vmem>>, vector<16xf32>,
      tpu.vector_store %arg23[%swap3A_134], %sub3A_128 {strides = array<i32>} : memref<80xf32, #tpu.memory_space<vmem>>, vector<16xf32>,
      %swap3A_136 = arith.constant 64 : index
      %swap3A_137 = tpu.vector_load %arg24[%swap3A_136] {strides = array<i32>} : memref<80xf32, #tpu.memory_space<vmem>>, vector<16xf32>,
      tpu.vector_store %arg24[%swap3A_136], %sub3A_131 {strides = array<i32>} : memref<80xf32, #tpu.memory_space<vmem>>, vector<16xf32>,
      %mul3A_138 = arith.mulf %sub3A_125, %sub3A_125 : vector<16xf32>
      %mul3A_139 = arith.mulf %sub3A_128, %sub3A_128 : vector<16xf32>
      %add3A_140 = arith.addf %mul3A_138, %mul3A_139 : vector<16xf32>
      %mul3A_141 = arith.mulf %sub3A_131, %sub3A_131 : vector<16xf32>
      %add3A_142 = arith.addf %add3A_140, %mul3A_141 : vector<16xf32>
      %swap3A_143 = arith.constant 64 : index
      %swap3A_144 = tpu.vector_load %arg25[%swap3A_143] {strides = array<i32>} : memref<80xf32, #tpu.memory_space<vmem>>, vector<16xf32>,
      tpu.vector_store %arg25[%swap3A_143], %add3A_142 {strides = array<i32>} : memref<80xf32, #tpu.memory_space<vmem>>, vector<16xf32>,
      %dma_wait3A = arith.constant 0 : i32
      %dma_wait3A_145 = arith.constant 0 : i32
      %dma_wait3A_146 = tpu.memref_slice %arg2[%dma_wait3A, %dma_wait3A_145] : memref<10000x128xf32, #tpu.memory_space<hbm>> -> memref<10000x128xf32, #tpu.memory_space<hbm>>
      tpu.wait_indirect_dma semaphore(%arg26 : memref<!tpu.dma_semaphore, #tpu.memory_space<semaphore_mem>>) src(%dma_wait3A_146 : memref<10000x128xf32, #tpu.memory_space<hbm>>) dst(%arg17 : memref<80x128xf32, #tpu.memory_space<vmem>>)
      %dma_wait3A_147 = arith.constant 0 : i32
      %dma_wait3A_148 = arith.constant 0 : i32
      %dma_wait3A_149 = tpu.memref_slice %arg3[%dma_wait3A_147, %dma_wait3A_148] : memref<10000x128xf32, #tpu.memory_space<hbm>> -> memref<10000x128xf32, #tpu.memory_space<hbm>>
      tpu.wait_indirect_dma semaphore(%arg27 : memref<!tpu.dma_semaphore, #tpu.memory_space<semaphore_mem>>) src(%dma_wait3A_149 : memref<10000x128xf32, #tpu.memory_space<hbm>>) dst(%arg18 : memref<80x128xf32, #tpu.memory_space<vmem>>)
      "tpu.region"() ({
        %run_scoped3A = tpu.sem_alloc : memref<!tpu.dma_semaphore, #tpu.memory_space<semaphore_mem>>
        %dma_start3A_151 = arith.constant 0 : i32
        %dma_start3A_152 = tpu.memref_slice %arg9[%add3A_13, %dma_start3A_151] : memref<320000x128xf32, #tpu.memory_space<hbm>> -> memref<80x128xf32, #tpu.memory_space<hbm>>
        %dma_start3A_153 = arith.constant 0 : i32
        %dma_start3A_154 = tpu.memref_slice %arg9[%add3A_13, %dma_start3A_153] : memref<320000x128xf32, #tpu.memory_space<hbm>> -> memref<80x128xf32, #tpu.memory_space<hbm>>
        tpu.enqueue_dma source(%arg17 : memref<80x128xf32, #tpu.memory_space<vmem>>) target(%dma_start3A_154 : memref<80x128xf32, #tpu.memory_space<hbm>>) target_semaphore(%run_scoped3A : memref<!tpu.dma_semaphore, #tpu.memory_space<semaphore_mem>>)
        %dma_wait3A_155 = arith.constant 0 : i32
        %dma_wait3A_156 = tpu.memref_slice %arg9[%add3A_13, %dma_wait3A_155] : memref<320000x128xf32, #tpu.memory_space<hbm>> -> memref<80x128xf32, #tpu.memory_space<hbm>>
        %dma_wait3A_157 = arith.constant 0 : i32
        %dma_wait3A_158 = tpu.memref_slice %arg9[%add3A_13, %dma_wait3A_157] : memref<320000x128xf32, #tpu.memory_space<hbm>> -> memref<80x128xf32, #tpu.memory_space<hbm>>
        tpu.wait_dma2 semaphore(%run_scoped3A : memref<!tpu.dma_semaphore, #tpu.memory_space<semaphore_mem>>) src(%arg17 : memref<80x128xf32, #tpu.memory_space<vmem>>) dst(%dma_wait3A_158 : memref<80x128xf32, #tpu.memory_space<hbm>>)
        tpu.yield
      }) : () -> ()
      "tpu.region"() ({
        %run_scoped3A = tpu.sem_alloc : memref<!tpu.dma_semaphore, #tpu.memory_space<semaphore_mem>>
        %dma_start3A_151 = arith.constant 0 : i32
        %dma_start3A_152 = tpu.memref_slice %arg10[%add3A_13, %dma_start3A_151] : memref<320000x128xf32, #tpu.memory_space<hbm>> -> memref<80x128xf32, #tpu.memory_space<hbm>>
        %dma_start3A_153 = arith.constant 0 : i32
        %dma_start3A_154 = tpu.memref_slice %arg10[%add3A_13, %dma_start3A_153] : memref<320000x128xf32, #tpu.memory_space<hbm>> -> memref<80x128xf32, #tpu.memory_space<hbm>>
        tpu.enqueue_dma source(%arg18 : memref<80x128xf32, #tpu.memory_space<vmem>>) target(%dma_start3A_154 : memref<80x128xf32, #tpu.memory_space<hbm>>) target_semaphore(%run_scoped3A : memref<!tpu.dma_semaphore, #tpu.memory_space<semaphore_mem>>)
        %dma_wait3A_155 = arith.constant 0 : i32
        %dma_wait3A_156 = tpu.memref_slice %arg10[%add3A_13, %dma_wait3A_155] : memref<320000x128xf32, #tpu.memory_space<hbm>> -> memref<80x128xf32, #tpu.memory_space<hbm>>
        %dma_wait3A_157 = arith.constant 0 : i32
        %dma_wait3A_158 = tpu.memref_slice %arg10[%add3A_13, %dma_wait3A_157] : memref<320000x128xf32, #tpu.memory_space<hbm>> -> memref<80x128xf32, #tpu.memory_space<hbm>>
        tpu.wait_dma2 semaphore(%run_scoped3A : memref<!tpu.dma_semaphore, #tpu.memory_space<semaphore_mem>>) src(%arg18 : memref<80x128xf32, #tpu.memory_space<vmem>>) dst(%dma_wait3A_158 : memref<80x128xf32, #tpu.memory_space<hbm>>)
        tpu.yield
      }) : () -> ()
      "tpu.region"() ({
        %run_scoped3A = tpu.sem_alloc : memref<!tpu.dma_semaphore, #tpu.memory_space<semaphore_mem>>
        %dma_start3A_151 = tpu.memref_slice %arg11[%add3A_13] : memref<320000xf32, #tpu.memory_space<hbm>> -> memref<80xf32, #tpu.memory_space<hbm>>
        %dma_start3A_152 = tpu.memref_slice %arg11[%add3A_13] : memref<320000xf32, #tpu.memory_space<hbm>> -> memref<80xf32, #tpu.memory_space<hbm>>
        tpu.enqueue_dma source(%arg22 : memref<80xf32, #tpu.memory_space<vmem>>) target(%dma_start3A_152 : memref<80xf32, #tpu.memory_space<hbm>>) target_semaphore(%run_scoped3A : memref<!tpu.dma_semaphore, #tpu.memory_space<semaphore_mem>>)
        %dma_wait3A_153 = tpu.memref_slice %arg11[%add3A_13] : memref<320000xf32, #tpu.memory_space<hbm>> -> memref<80xf32, #tpu.memory_space<hbm>>
        %dma_wait3A_154 = tpu.memref_slice %arg11[%add3A_13] : memref<320000xf32, #tpu.memory_space<hbm>> -> memref<80xf32, #tpu.memory_space<hbm>>
        tpu.wait_dma2 semaphore(%run_scoped3A : memref<!tpu.dma_semaphore, #tpu.memory_space<semaphore_mem>>) src(%arg22 : memref<80xf32, #tpu.memory_space<vmem>>) dst(%dma_wait3A_154 : memref<80xf32, #tpu.memory_space<hbm>>)
        tpu.yield
      }) : () -> ()
      "tpu.region"() ({
        %run_scoped3A = tpu.sem_alloc : memref<!tpu.dma_semaphore, #tpu.memory_space<semaphore_mem>>
        %dma_start3A_151 = tpu.memref_slice %arg12[%add3A_13] : memref<320000xf32, #tpu.memory_space<hbm>> -> memref<80xf32, #tpu.memory_space<hbm>>
        %dma_start3A_152 = tpu.memref_slice %arg12[%add3A_13] : memref<320000xf32, #tpu.memory_space<hbm>> -> memref<80xf32, #tpu.memory_space<hbm>>
        tpu.enqueue_dma source(%arg23 : memref<80xf32, #tpu.memory_space<vmem>>) target(%dma_start3A_152 : memref<80xf32, #tpu.memory_space<hbm>>) target_semaphore(%run_scoped3A : memref<!tpu.dma_semaphore, #tpu.memory_space<semaphore_mem>>)
        %dma_wait3A_153 = tpu.memref_slice %arg12[%add3A_13] : memref<320000xf32, #tpu.memory_space<hbm>> -> memref<80xf32, #tpu.memory_space<hbm>>
        %dma_wait3A_154 = tpu.memref_slice %arg12[%add3A_13] : memref<320000xf32, #tpu.memory_space<hbm>> -> memref<80xf32, #tpu.memory_space<hbm>>
        tpu.wait_dma2 semaphore(%run_scoped3A : memref<!tpu.dma_semaphore, #tpu.memory_space<semaphore_mem>>) src(%arg23 : memref<80xf32, #tpu.memory_space<vmem>>) dst(%dma_wait3A_154 : memref<80xf32, #tpu.memory_space<hbm>>)
        tpu.yield
      }) : () -> ()
      "tpu.region"() ({
        %run_scoped3A = tpu.sem_alloc : memref<!tpu.dma_semaphore, #tpu.memory_space<semaphore_mem>>
        %dma_start3A_151 = tpu.memref_slice %arg13[%add3A_13] : memref<320000xf32, #tpu.memory_space<hbm>> -> memref<80xf32, #tpu.memory_space<hbm>>
        %dma_start3A_152 = tpu.memref_slice %arg13[%add3A_13] : memref<320000xf32, #tpu.memory_space<hbm>> -> memref<80xf32, #tpu.memory_space<hbm>>
        tpu.enqueue_dma source(%arg24 : memref<80xf32, #tpu.memory_space<vmem>>) target(%dma_start3A_152 : memref<80xf32, #tpu.memory_space<hbm>>) target_semaphore(%run_scoped3A : memref<!tpu.dma_semaphore, #tpu.memory_space<semaphore_mem>>)
        %dma_wait3A_153 = tpu.memref_slice %arg13[%add3A_13] : memref<320000xf32, #tpu.memory_space<hbm>> -> memref<80xf32, #tpu.memory_space<hbm>>
        %dma_wait3A_154 = tpu.memref_slice %arg13[%add3A_13] : memref<320000xf32, #tpu.memory_space<hbm>> -> memref<80xf32, #tpu.memory_space<hbm>>
        tpu.wait_dma2 semaphore(%run_scoped3A : memref<!tpu.dma_semaphore, #tpu.memory_space<semaphore_mem>>) src(%arg24 : memref<80xf32, #tpu.memory_space<vmem>>) dst(%dma_wait3A_154 : memref<80xf32, #tpu.memory_space<hbm>>)
        tpu.yield
      }) : () -> ()
      "tpu.region"() ({
        %run_scoped3A = tpu.sem_alloc : memref<!tpu.dma_semaphore, #tpu.memory_space<semaphore_mem>>
        %dma_start3A_151 = tpu.memref_slice %arg14[%add3A_13] : memref<320000xf32, #tpu.memory_space<hbm>> -> memref<80xf32, #tpu.memory_space<hbm>>
        %dma_start3A_152 = tpu.memref_slice %arg14[%add3A_13] : memref<320000xf32, #tpu.memory_space<hbm>> -> memref<80xf32, #tpu.memory_space<hbm>>
        tpu.enqueue_dma source(%arg25 : memref<80xf32, #tpu.memory_space<vmem>>) target(%dma_start3A_152 : memref<80xf32, #tpu.memory_space<hbm>>) target_semaphore(%run_scoped3A : memref<!tpu.dma_semaphore, #tpu.memory_space<semaphore_mem>>)
        %dma_wait3A_153 = tpu.memref_slice %arg14[%add3A_13] : memref<320000xf32, #tpu.memory_space<hbm>> -> memref<80xf32, #tpu.memory_space<hbm>>
        %dma_wait3A_154 = tpu.memref_slice %arg14[%add3A_13] : memref<320000xf32, #tpu.memory_space<hbm>> -> memref<80xf32, #tpu.memory_space<hbm>>
        tpu.wait_dma2 semaphore(%run_scoped3A : memref<!tpu.dma_semaphore, #tpu.memory_space<semaphore_mem>>) src(%arg25 : memref<80xf32, #tpu.memory_space<vmem>>) dst(%dma_wait3A_154 : memref<80xf32, #tpu.memory_space<hbm>>)
        tpu.yield
      }) : () -> ()
      %scan3A_150 = arith.constant 0 : i32
      scf.yield %scan3A_150 : i32
    }
    %scan3A_8 = arith.constant 125 : i32
    return
  }
}

#map = affine_map<(d0, d1) -> (0)>
#map1 = affine_map<(d0, d1) -> (0, 0)>
module attributes {stable_mosaic.version = 14 : i64} {
  func.func @cscatter_k(%arg0: i32, %arg1: i32, %arg2: memref<320000xf32, #tpu.memory_space<hbm>>, %arg3: memref<320000xf32, #tpu.memory_space<hbm>>, %arg4: memref<320000xf32, #tpu.memory_space<hbm>>, %arg5: memref<320000xi32, #tpu.memory_space<hbm>>, %arg6: memref<256x10000xf32, #tpu.memory_space<hbm>>, %arg7: memref<80xi32, #tpu.memory_space<vmem>>, %arg8: memref<80xf32, #tpu.memory_space<vmem>>, %arg9: memref<80xf32, #tpu.memory_space<vmem>>, %arg10: memref<80xf32, #tpu.memory_space<vmem>>, %arg11: memref<8x10000xf32, #tpu.memory_space<vmem>>) attributes {dimension_semantics = [#tpu.dimension_semantics<core_parallel>, #tpu.dimension_semantics<subcore_parallel>], iteration_bounds = array<i64: 2, 16>, scalar_prefetch = 0 : i64, scratch_operands = 5 : i64, tpu.core_type = #tpu.core_type<sc_vector_subcore>, window_params = [{transform_indices = #map}, {transform_indices = #map}, {transform_indices = #map}, {transform_indices = #map}, {transform_indices = #map1}]} {
    %mul3A = arith.constant 2 : i32
    %mul3A_0 = arith.muli %arg1, %mul3A : i32
    %add3A = arith.addi %mul3A_0, %arg0 : i32
    %mul3A_1 = arith.constant 10000 : i32
    %mul3A_2 = arith.muli %add3A, %mul3A_1 : i32
    %broadcast_in_dim3A = arith.constant 0.000000e+00 : f32
    %broadcast_in_dim3A_3 = vector.broadcast %broadcast_in_dim3A : f32 to vector<16xf32>
    %broadcast_in_dim3A_4 = arith.constant 0 : i32
    %broadcast_in_dim3A_5 = vector.broadcast %broadcast_in_dim3A_4 : i32 to vector<16xi32>
    %broadcast_in_dim3A_6 = arith.constant 1 : i32
    %broadcast_in_dim3A_7 = vector.broadcast %broadcast_in_dim3A_6 : i32 to vector<16xi32>
    %broadcast_in_dim3A_8 = arith.constant 2 : i32
    %broadcast_in_dim3A_9 = vector.broadcast %broadcast_in_dim3A_8 : i32 to vector<16xi32>
    %scan3A = arith.constant 0 : i32
    %scan3A_10 = arith.constant 0 : i32
    %scan3A_11 = arith.constant 625 : i32
    %scan3A_12 = arith.addi %scan3A_10, %scan3A_11 : i32
    %scan3A_13 = arith.constant 1 : i32
    %scan3A_14 = scf.for %scan3A_25 = %scan3A_10 to %scan3A_12 step %scan3A_13 iter_args(%scan3A_26 = %scan3A) -> (i32)  : i32 {
      %mul3A_27 = arith.constant 16 : i32
      %mul3A_28 = arith.muli %scan3A_25, %mul3A_27 : i32
      %swap3A = arith.constant 0 : i32
      %swap3A_29 = arith.index_cast %swap3A : i32 to index
      %swap3A_30 = arith.index_cast %mul3A_28 : i32 to index
      %swap3A_31 = tpu.vector_load %arg11[%swap3A_29, %swap3A_30] {strides = array<i32>} : memref<8x10000xf32, #tpu.memory_space<vmem>>, vector<16xf32>,
      tpu.vector_store %arg11[%swap3A_29, %swap3A_30], %broadcast_in_dim3A_3 {strides = array<i32>} : memref<8x10000xf32, #tpu.memory_space<vmem>>, vector<16xf32>,
      %mul3A_32 = arith.constant 16 : i32
      %mul3A_33 = arith.muli %scan3A_25, %mul3A_32 : i32
      %swap3A_34 = arith.constant 1 : i32
      %swap3A_35 = arith.index_cast %swap3A_34 : i32 to index
      %swap3A_36 = arith.index_cast %mul3A_33 : i32 to index
      %swap3A_37 = tpu.vector_load %arg11[%swap3A_35, %swap3A_36] {strides = array<i32>} : memref<8x10000xf32, #tpu.memory_space<vmem>>, vector<16xf32>,
      tpu.vector_store %arg11[%swap3A_35, %swap3A_36], %broadcast_in_dim3A_3 {strides = array<i32>} : memref<8x10000xf32, #tpu.memory_space<vmem>>, vector<16xf32>,
      %mul3A_38 = arith.constant 16 : i32
      %mul3A_39 = arith.muli %scan3A_25, %mul3A_38 : i32
      %swap3A_40 = arith.constant 2 : i32
      %swap3A_41 = arith.index_cast %swap3A_40 : i32 to index
      %swap3A_42 = arith.index_cast %mul3A_39 : i32 to index
      %swap3A_43 = tpu.vector_load %arg11[%swap3A_41, %swap3A_42] {strides = array<i32>} : memref<8x10000xf32, #tpu.memory_space<vmem>>, vector<16xf32>,
      tpu.vector_store %arg11[%swap3A_41, %swap3A_42], %broadcast_in_dim3A_3 {strides = array<i32>} : memref<8x10000xf32, #tpu.memory_space<vmem>>, vector<16xf32>,
      %scan3A_44 = arith.constant 0 : i32
      scf.yield %scan3A_44 : i32
    }
    %scan3A_15 = arith.constant 625 : i32
    %scan3A_16 = arith.constant 0 : i32
    %scan3A_17 = arith.constant 0 : i32
    %scan3A_18 = arith.constant 125 : i32
    %scan3A_19 = arith.addi %scan3A_17, %scan3A_18 : i32
    %scan3A_20 = arith.constant 1 : i32
    %scan3A_21 = scf.for %scan3A_25 = %scan3A_17 to %scan3A_19 step %scan3A_20 iter_args(%scan3A_26 = %scan3A_16) -> (i32)  : i32 {
      %mul3A_27 = arith.constant 80 : i32
      %mul3A_28 = arith.muli %scan3A_25, %mul3A_27 : i32
      %add3A_29 = arith.addi %mul3A_2, %mul3A_28 : i32
      "tpu.region"() ({
        %run_scoped3A = tpu.sem_alloc : memref<!tpu.dma_semaphore, #tpu.memory_space<semaphore_mem>>
        %dma_start3A = tpu.memref_slice %arg5[%add3A_29] : memref<320000xi32, #tpu.memory_space<hbm>> -> memref<80xi32, #tpu.memory_space<hbm>>
        %dma_start3A_70 = tpu.memref_slice %arg5[%add3A_29] : memref<320000xi32, #tpu.memory_space<hbm>> -> memref<80xi32, #tpu.memory_space<hbm>>
        tpu.enqueue_dma source(%dma_start3A_70 : memref<80xi32, #tpu.memory_space<hbm>>) target(%arg7 : memref<80xi32, #tpu.memory_space<vmem>>) target_semaphore(%run_scoped3A : memref<!tpu.dma_semaphore, #tpu.memory_space<semaphore_mem>>)
        %dma_wait3A = tpu.memref_slice %arg5[%add3A_29] : memref<320000xi32, #tpu.memory_space<hbm>> -> memref<80xi32, #tpu.memory_space<hbm>>
        %dma_wait3A_71 = tpu.memref_slice %arg5[%add3A_29] : memref<320000xi32, #tpu.memory_space<hbm>> -> memref<80xi32, #tpu.memory_space<hbm>>
        tpu.wait_dma2 semaphore(%run_scoped3A : memref<!tpu.dma_semaphore, #tpu.memory_space<semaphore_mem>>) src(%dma_wait3A_71 : memref<80xi32, #tpu.memory_space<hbm>>) dst(%arg7 : memref<80xi32, #tpu.memory_space<vmem>>)
        tpu.yield
      }) : () -> ()
      "tpu.region"() ({
        %run_scoped3A = tpu.sem_alloc : memref<!tpu.dma_semaphore, #tpu.memory_space<semaphore_mem>>
        %dma_start3A = tpu.memref_slice %arg2[%add3A_29] : memref<320000xf32, #tpu.memory_space<hbm>> -> memref<80xf32, #tpu.memory_space<hbm>>
        %dma_start3A_70 = tpu.memref_slice %arg2[%add3A_29] : memref<320000xf32, #tpu.memory_space<hbm>> -> memref<80xf32, #tpu.memory_space<hbm>>
        tpu.enqueue_dma source(%dma_start3A_70 : memref<80xf32, #tpu.memory_space<hbm>>) target(%arg8 : memref<80xf32, #tpu.memory_space<vmem>>) target_semaphore(%run_scoped3A : memref<!tpu.dma_semaphore, #tpu.memory_space<semaphore_mem>>)
        %dma_wait3A = tpu.memref_slice %arg2[%add3A_29] : memref<320000xf32, #tpu.memory_space<hbm>> -> memref<80xf32, #tpu.memory_space<hbm>>
        %dma_wait3A_71 = tpu.memref_slice %arg2[%add3A_29] : memref<320000xf32, #tpu.memory_space<hbm>> -> memref<80xf32, #tpu.memory_space<hbm>>
        tpu.wait_dma2 semaphore(%run_scoped3A : memref<!tpu.dma_semaphore, #tpu.memory_space<semaphore_mem>>) src(%dma_wait3A_71 : memref<80xf32, #tpu.memory_space<hbm>>) dst(%arg8 : memref<80xf32, #tpu.memory_space<vmem>>)
        tpu.yield
      }) : () -> ()
      "tpu.region"() ({
        %run_scoped3A = tpu.sem_alloc : memref<!tpu.dma_semaphore, #tpu.memory_space<semaphore_mem>>
        %dma_start3A = tpu.memref_slice %arg3[%add3A_29] : memref<320000xf32, #tpu.memory_space<hbm>> -> memref<80xf32, #tpu.memory_space<hbm>>
        %dma_start3A_70 = tpu.memref_slice %arg3[%add3A_29] : memref<320000xf32, #tpu.memory_space<hbm>> -> memref<80xf32, #tpu.memory_space<hbm>>
        tpu.enqueue_dma source(%dma_start3A_70 : memref<80xf32, #tpu.memory_space<hbm>>) target(%arg9 : memref<80xf32, #tpu.memory_space<vmem>>) target_semaphore(%run_scoped3A : memref<!tpu.dma_semaphore, #tpu.memory_space<semaphore_mem>>)
        %dma_wait3A = tpu.memref_slice %arg3[%add3A_29] : memref<320000xf32, #tpu.memory_space<hbm>> -> memref<80xf32, #tpu.memory_space<hbm>>
        %dma_wait3A_71 = tpu.memref_slice %arg3[%add3A_29] : memref<320000xf32, #tpu.memory_space<hbm>> -> memref<80xf32, #tpu.memory_space<hbm>>
        tpu.wait_dma2 semaphore(%run_scoped3A : memref<!tpu.dma_semaphore, #tpu.memory_space<semaphore_mem>>) src(%dma_wait3A_71 : memref<80xf32, #tpu.memory_space<hbm>>) dst(%arg9 : memref<80xf32, #tpu.memory_space<vmem>>)
        tpu.yield
      }) : () -> ()
      "tpu.region"() ({
        %run_scoped3A = tpu.sem_alloc : memref<!tpu.dma_semaphore, #tpu.memory_space<semaphore_mem>>
        %dma_start3A = tpu.memref_slice %arg4[%add3A_29] : memref<320000xf32, #tpu.memory_space<hbm>> -> memref<80xf32, #tpu.memory_space<hbm>>
        %dma_start3A_70 = tpu.memref_slice %arg4[%add3A_29] : memref<320000xf32, #tpu.memory_space<hbm>> -> memref<80xf32, #tpu.memory_space<hbm>>
        tpu.enqueue_dma source(%dma_start3A_70 : memref<80xf32, #tpu.memory_space<hbm>>) target(%arg10 : memref<80xf32, #tpu.memory_space<vmem>>) target_semaphore(%run_scoped3A : memref<!tpu.dma_semaphore, #tpu.memory_space<semaphore_mem>>)
        %dma_wait3A = tpu.memref_slice %arg4[%add3A_29] : memref<320000xf32, #tpu.memory_space<hbm>> -> memref<80xf32, #tpu.memory_space<hbm>>
        %dma_wait3A_71 = tpu.memref_slice %arg4[%add3A_29] : memref<320000xf32, #tpu.memory_space<hbm>> -> memref<80xf32, #tpu.memory_space<hbm>>
        tpu.wait_dma2 semaphore(%run_scoped3A : memref<!tpu.dma_semaphore, #tpu.memory_space<semaphore_mem>>) src(%dma_wait3A_71 : memref<80xf32, #tpu.memory_space<hbm>>) dst(%arg10 : memref<80xf32, #tpu.memory_space<vmem>>)
        tpu.yield
      }) : () -> ()
      %get3A = arith.constant 0 : index
      %get3A_30 = tpu.vector_load %arg7[%get3A] {strides = array<i32>} : memref<80xi32, #tpu.memory_space<vmem>>, vector<16xi32>,
      %get3A_31 = arith.constant 0 : index
      %get3A_32 = tpu.vector_load %arg8[%get3A_31] {strides = array<i32>} : memref<80xf32, #tpu.memory_space<vmem>>, vector<16xf32>,
      tpu.vector_store_idx %arg11[%broadcast_in_dim3A_5, %get3A_30], %get3A_32 {add = true} : memref<8x10000xf32, #tpu.memory_space<vmem>>[vector<16xi32>, vector<16xi32>], vector<16xf32>,
      %get3A_33 = arith.constant 0 : index
      %get3A_34 = tpu.vector_load %arg9[%get3A_33] {strides = array<i32>} : memref<80xf32, #tpu.memory_space<vmem>>, vector<16xf32>,
      tpu.vector_store_idx %arg11[%broadcast_in_dim3A_7, %get3A_30], %get3A_34 {add = true} : memref<8x10000xf32, #tpu.memory_space<vmem>>[vector<16xi32>, vector<16xi32>], vector<16xf32>,
      %get3A_35 = arith.constant 0 : index
      %get3A_36 = tpu.vector_load %arg10[%get3A_35] {strides = array<i32>} : memref<80xf32, #tpu.memory_space<vmem>>, vector<16xf32>,
      tpu.vector_store_idx %arg11[%broadcast_in_dim3A_9, %get3A_30], %get3A_36 {add = true} : memref<8x10000xf32, #tpu.memory_space<vmem>>[vector<16xi32>, vector<16xi32>], vector<16xf32>,
      %get3A_37 = arith.constant 16 : index
      %get3A_38 = tpu.vector_load %arg7[%get3A_37] {strides = array<i32>} : memref<80xi32, #tpu.memory_space<vmem>>, vector<16xi32>,
      %get3A_39 = arith.constant 16 : index
      %get3A_40 = tpu.vector_load %arg8[%get3A_39] {strides = array<i32>} : memref<80xf32, #tpu.memory_space<vmem>>, vector<16xf32>,
      tpu.vector_store_idx %arg11[%broadcast_in_dim3A_5, %get3A_38], %get3A_40 {add = true} : memref<8x10000xf32, #tpu.memory_space<vmem>>[vector<16xi32>, vector<16xi32>], vector<16xf32>,
      %get3A_41 = arith.constant 16 : index
      %get3A_42 = tpu.vector_load %arg9[%get3A_41] {strides = array<i32>} : memref<80xf32, #tpu.memory_space<vmem>>, vector<16xf32>,
      tpu.vector_store_idx %arg11[%broadcast_in_dim3A_7, %get3A_38], %get3A_42 {add = true} : memref<8x10000xf32, #tpu.memory_space<vmem>>[vector<16xi32>, vector<16xi32>], vector<16xf32>,
      %get3A_43 = arith.constant 16 : index
      %get3A_44 = tpu.vector_load %arg10[%get3A_43] {strides = array<i32>} : memref<80xf32, #tpu.memory_space<vmem>>, vector<16xf32>,
      tpu.vector_store_idx %arg11[%broadcast_in_dim3A_9, %get3A_38], %get3A_44 {add = true} : memref<8x10000xf32, #tpu.memory_space<vmem>>[vector<16xi32>, vector<16xi32>], vector<16xf32>,
      %get3A_45 = arith.constant 32 : index
      %get3A_46 = tpu.vector_load %arg7[%get3A_45] {strides = array<i32>} : memref<80xi32, #tpu.memory_space<vmem>>, vector<16xi32>,
      %get3A_47 = arith.constant 32 : index
      %get3A_48 = tpu.vector_load %arg8[%get3A_47] {strides = array<i32>} : memref<80xf32, #tpu.memory_space<vmem>>, vector<16xf32>,
      tpu.vector_store_idx %arg11[%broadcast_in_dim3A_5, %get3A_46], %get3A_48 {add = true} : memref<8x10000xf32, #tpu.memory_space<vmem>>[vector<16xi32>, vector<16xi32>], vector<16xf32>,
      %get3A_49 = arith.constant 32 : index
      %get3A_50 = tpu.vector_load %arg9[%get3A_49] {strides = array<i32>} : memref<80xf32, #tpu.memory_space<vmem>>, vector<16xf32>,
      tpu.vector_store_idx %arg11[%broadcast_in_dim3A_7, %get3A_46], %get3A_50 {add = true} : memref<8x10000xf32, #tpu.memory_space<vmem>>[vector<16xi32>, vector<16xi32>], vector<16xf32>,
      %get3A_51 = arith.constant 32 : index
      %get3A_52 = tpu.vector_load %arg10[%get3A_51] {strides = array<i32>} : memref<80xf32, #tpu.memory_space<vmem>>, vector<16xf32>,
      tpu.vector_store_idx %arg11[%broadcast_in_dim3A_9, %get3A_46], %get3A_52 {add = true} : memref<8x10000xf32, #tpu.memory_space<vmem>>[vector<16xi32>, vector<16xi32>], vector<16xf32>,
      %get3A_53 = arith.constant 48 : index
      %get3A_54 = tpu.vector_load %arg7[%get3A_53] {strides = array<i32>} : memref<80xi32, #tpu.memory_space<vmem>>, vector<16xi32>,
      %get3A_55 = arith.constant 48 : index
      %get3A_56 = tpu.vector_load %arg8[%get3A_55] {strides = array<i32>} : memref<80xf32, #tpu.memory_space<vmem>>, vector<16xf32>,
      tpu.vector_store_idx %arg11[%broadcast_in_dim3A_5, %get3A_54], %get3A_56 {add = true} : memref<8x10000xf32, #tpu.memory_space<vmem>>[vector<16xi32>, vector<16xi32>], vector<16xf32>,
      %get3A_57 = arith.constant 48 : index
      %get3A_58 = tpu.vector_load %arg9[%get3A_57] {strides = array<i32>} : memref<80xf32, #tpu.memory_space<vmem>>, vector<16xf32>,
      tpu.vector_store_idx %arg11[%broadcast_in_dim3A_7, %get3A_54], %get3A_58 {add = true} : memref<8x10000xf32, #tpu.memory_space<vmem>>[vector<16xi32>, vector<16xi32>], vector<16xf32>,
      %get3A_59 = arith.constant 48 : index
      %get3A_60 = tpu.vector_load %arg10[%get3A_59] {strides = array<i32>} : memref<80xf32, #tpu.memory_space<vmem>>, vector<16xf32>,
      tpu.vector_store_idx %arg11[%broadcast_in_dim3A_9, %get3A_54], %get3A_60 {add = true} : memref<8x10000xf32, #tpu.memory_space<vmem>>[vector<16xi32>, vector<16xi32>], vector<16xf32>,
      %get3A_61 = arith.constant 64 : index
      %get3A_62 = tpu.vector_load %arg7[%get3A_61] {strides = array<i32>} : memref<80xi32, #tpu.memory_space<vmem>>, vector<16xi32>,
      %get3A_63 = arith.constant 64 : index
      %get3A_64 = tpu.vector_load %arg8[%get3A_63] {strides = array<i32>} : memref<80xf32, #tpu.memory_space<vmem>>, vector<16xf32>,
      tpu.vector_store_idx %arg11[%broadcast_in_dim3A_5, %get3A_62], %get3A_64 {add = true} : memref<8x10000xf32, #tpu.memory_space<vmem>>[vector<16xi32>, vector<16xi32>], vector<16xf32>,
      %get3A_65 = arith.constant 64 : index
      %get3A_66 = tpu.vector_load %arg9[%get3A_65] {strides = array<i32>} : memref<80xf32, #tpu.memory_space<vmem>>, vector<16xf32>,
      tpu.vector_store_idx %arg11[%broadcast_in_dim3A_7, %get3A_62], %get3A_66 {add = true} : memref<8x10000xf32, #tpu.memory_space<vmem>>[vector<16xi32>, vector<16xi32>], vector<16xf32>,
      %get3A_67 = arith.constant 64 : index
      %get3A_68 = tpu.vector_load %arg10[%get3A_67] {strides = array<i32>} : memref<80xf32, #tpu.memory_space<vmem>>, vector<16xf32>,
      tpu.vector_store_idx %arg11[%broadcast_in_dim3A_9, %get3A_62], %get3A_68 {add = true} : memref<8x10000xf32, #tpu.memory_space<vmem>>[vector<16xi32>, vector<16xi32>], vector<16xf32>,
      %scan3A_69 = arith.constant 0 : i32
      scf.yield %scan3A_69 : i32
    }
    %scan3A_22 = arith.constant 125 : i32
    %mul3A_23 = arith.constant 8 : i32
    %mul3A_24 = arith.muli %add3A, %mul3A_23 : i32
    "tpu.region"() ({
      %run_scoped3A = tpu.sem_alloc : memref<!tpu.dma_semaphore, #tpu.memory_space<semaphore_mem>>
      %dma_start3A = arith.constant 0 : i32
      %dma_start3A_25 = tpu.memref_slice %arg6[%mul3A_24, %dma_start3A] : memref<256x10000xf32, #tpu.memory_space<hbm>> -> memref<8x10000xf32, #tpu.memory_space<hbm>>
      %dma_start3A_26 = arith.constant 0 : i32
      %dma_start3A_27 = tpu.memref_slice %arg6[%mul3A_24, %dma_start3A_26] : memref<256x10000xf32, #tpu.memory_space<hbm>> -> memref<8x10000xf32, #tpu.memory_space<hbm>>
      tpu.enqueue_dma source(%arg11 : memref<8x10000xf32, #tpu.memory_space<vmem>>) target(%dma_start3A_27 : memref<8x10000xf32, #tpu.memory_space<hbm>>) target_semaphore(%run_scoped3A : memref<!tpu.dma_semaphore, #tpu.memory_space<semaphore_mem>>)
      %dma_wait3A = arith.constant 0 : i32
      %dma_wait3A_28 = tpu.memref_slice %arg6[%mul3A_24, %dma_wait3A] : memref<256x10000xf32, #tpu.memory_space<hbm>> -> memref<8x10000xf32, #tpu.memory_space<hbm>>
      %dma_wait3A_29 = arith.constant 0 : i32
      %dma_wait3A_30 = tpu.memref_slice %arg6[%mul3A_24, %dma_wait3A_29] : memref<256x10000xf32, #tpu.memory_space<hbm>> -> memref<8x10000xf32, #tpu.memory_space<hbm>>
      tpu.wait_dma2 semaphore(%run_scoped3A : memref<!tpu.dma_semaphore, #tpu.memory_space<semaphore_mem>>) src(%arg11 : memref<8x10000xf32, #tpu.memory_space<vmem>>) dst(%dma_wait3A_30 : memref<8x10000xf32, #tpu.memory_space<hbm>>)
      tpu.yield
    }) : () -> ()
    return
  }
}

#map = affine_map<(d0, d1) -> (0, 0)>
#map1 = affine_map<(d0, d1) -> (0)>
module attributes {stable_mosaic.version = 14 : i64} {
  func.func @scatter_k(%arg0: i32, %arg1: i32, %arg2: memref<320000x128xf32, #tpu.memory_space<hbm>>, %arg3: memref<320000xi32, #tpu.memory_space<hbm>>, %arg4: memref<10000x128xf32, #tpu.memory_space<hbm>>, %arg5: memref<20000x128xf32, #tpu.memory_space<hbm>>, %arg6: memref<80xi32, #tpu.memory_space<vmem>>, %arg7: memref<80x128xf32, #tpu.memory_space<vmem>>, %arg8: memref<10000x128xf32, #tpu.memory_space<vmem_shared>>) attributes {dimension_semantics = [#tpu.dimension_semantics<core_parallel>, #tpu.dimension_semantics<subcore_parallel>], iteration_bounds = array<i64: 2, 16>, scalar_prefetch = 0 : i64, scratch_operands = 3 : i64, tpu.core_type = #tpu.core_type<sc_vector_subcore>, window_params = [{transform_indices = #map}, {transform_indices = #map1}, {transform_indices = #map}, {transform_indices = #map}]} {
    %mul3A = arith.constant 2 : i32
    %mul3A_0 = arith.muli %arg1, %mul3A : i32
    %add3A = arith.addi %mul3A_0, %arg0 : i32
    %mul3A_1 = arith.constant 10000 : i32
    %mul3A_2 = arith.muli %add3A, %mul3A_1 : i32
    %eq3A = arith.constant 0 : i32
    %eq3A_3 = arith.cmpi eq, %arg1, %eq3A : i32
    %convert_element_type3A = arith.extui %eq3A_3 : i1 to i32
    %cond3A = arith.constant 0 : i32
    %cond3A_4 = arith.cmpi ne, %convert_element_type3A, %cond3A : i32
    scf.if %cond3A_4 {
      "tpu.region"() ({
        %run_scoped3A = tpu.sem_alloc : memref<!tpu.dma_semaphore, #tpu.memory_space<semaphore_mem>>
        tpu.enqueue_dma source(%arg4 : memref<10000x128xf32, #tpu.memory_space<hbm>>) target(%arg8 : memref<10000x128xf32, #tpu.memory_space<vmem_shared>>) target_semaphore(%run_scoped3A : memref<!tpu.dma_semaphore, #tpu.memory_space<semaphore_mem>>)
        tpu.wait_dma2 semaphore(%run_scoped3A : memref<!tpu.dma_semaphore, #tpu.memory_space<semaphore_mem>>) src(%arg4 : memref<10000x128xf32, #tpu.memory_space<hbm>>) dst(%arg8 : memref<10000x128xf32, #tpu.memory_space<vmem_shared>>)
        tpu.yield
      }) : () -> ()
    } else {
    }
    %barrier3A = arith.constant 0 : index
    tpu.barrier barrier_id(%barrier3A)
    %scan3A = arith.constant 0 : i32
    %scan3A_5 = arith.constant 0 : i32
    %scan3A_6 = arith.constant 125 : i32
    %scan3A_7 = arith.addi %scan3A_5, %scan3A_6 : i32
    %scan3A_8 = arith.constant 1 : i32
    %scan3A_9 = scf.for %scan3A_17 = %scan3A_5 to %scan3A_7 step %scan3A_8 iter_args(%scan3A_18 = %scan3A) -> (i32)  : i32 {
      %mul3A_19 = arith.constant 80 : i32
      %mul3A_20 = arith.muli %scan3A_17, %mul3A_19 : i32
      %add3A_21 = arith.addi %mul3A_2, %mul3A_20 : i32
      "tpu.region"() ({
        %run_scoped3A = tpu.sem_alloc : memref<!tpu.dma_semaphore, #tpu.memory_space<semaphore_mem>>
        %dma_start3A = tpu.memref_slice %arg3[%add3A_21] : memref<320000xi32, #tpu.memory_space<hbm>> -> memref<80xi32, #tpu.memory_space<hbm>>
        %dma_start3A_23 = tpu.memref_slice %arg3[%add3A_21] : memref<320000xi32, #tpu.memory_space<hbm>> -> memref<80xi32, #tpu.memory_space<hbm>>
        tpu.enqueue_dma source(%dma_start3A_23 : memref<80xi32, #tpu.memory_space<hbm>>) target(%arg6 : memref<80xi32, #tpu.memory_space<vmem>>) target_semaphore(%run_scoped3A : memref<!tpu.dma_semaphore, #tpu.memory_space<semaphore_mem>>)
        %dma_wait3A = tpu.memref_slice %arg3[%add3A_21] : memref<320000xi32, #tpu.memory_space<hbm>> -> memref<80xi32, #tpu.memory_space<hbm>>
        %dma_wait3A_24 = tpu.memref_slice %arg3[%add3A_21] : memref<320000xi32, #tpu.memory_space<hbm>> -> memref<80xi32, #tpu.memory_space<hbm>>
        tpu.wait_dma2 semaphore(%run_scoped3A : memref<!tpu.dma_semaphore, #tpu.memory_space<semaphore_mem>>) src(%dma_wait3A_24 : memref<80xi32, #tpu.memory_space<hbm>>) dst(%arg6 : memref<80xi32, #tpu.memory_space<vmem>>)
        tpu.yield
      }) : () -> ()
      "tpu.region"() ({
        %run_scoped3A = tpu.sem_alloc : memref<!tpu.dma_semaphore, #tpu.memory_space<semaphore_mem>>
        %dma_start3A = arith.constant 0 : i32
        %dma_start3A_23 = tpu.memref_slice %arg2[%add3A_21, %dma_start3A] : memref<320000x128xf32, #tpu.memory_space<hbm>> -> memref<80x128xf32, #tpu.memory_space<hbm>>
        %dma_start3A_24 = arith.constant 0 : i32
        %dma_start3A_25 = tpu.memref_slice %arg2[%add3A_21, %dma_start3A_24] : memref<320000x128xf32, #tpu.memory_space<hbm>> -> memref<80x128xf32, #tpu.memory_space<hbm>>
        tpu.enqueue_dma source(%dma_start3A_25 : memref<80x128xf32, #tpu.memory_space<hbm>>) target(%arg7 : memref<80x128xf32, #tpu.memory_space<vmem>>) target_semaphore(%run_scoped3A : memref<!tpu.dma_semaphore, #tpu.memory_space<semaphore_mem>>)
        %dma_wait3A = arith.constant 0 : i32
        %dma_wait3A_26 = tpu.memref_slice %arg2[%add3A_21, %dma_wait3A] : memref<320000x128xf32, #tpu.memory_space<hbm>> -> memref<80x128xf32, #tpu.memory_space<hbm>>
        %dma_wait3A_27 = arith.constant 0 : i32
        %dma_wait3A_28 = tpu.memref_slice %arg2[%add3A_21, %dma_wait3A_27] : memref<320000x128xf32, #tpu.memory_space<hbm>> -> memref<80x128xf32, #tpu.memory_space<hbm>>
        tpu.wait_dma2 semaphore(%run_scoped3A : memref<!tpu.dma_semaphore, #tpu.memory_space<semaphore_mem>>) src(%dma_wait3A_28 : memref<80x128xf32, #tpu.memory_space<hbm>>) dst(%arg7 : memref<80x128xf32, #tpu.memory_space<vmem>>)
        tpu.yield
      }) : () -> ()
      "tpu.region"() ({
        %run_scoped3A = tpu.sem_alloc : memref<!tpu.dma_semaphore, #tpu.memory_space<semaphore_mem>>
        %dma_start3A = arith.constant 0 : i32
        %dma_start3A_23 = arith.constant 0 : i32
        %dma_start3A_24 = tpu.memref_slice %arg8[%dma_start3A, %dma_start3A_23] : memref<10000x128xf32, #tpu.memory_space<vmem_shared>> -> memref<10000x128xf32, #tpu.memory_space<vmem_shared>>
        tpu.enqueue_indirect_dma source(%arg7 : memref<80x128xf32, #tpu.memory_space<vmem>>) target(%dma_start3A_24 : memref<10000x128xf32, #tpu.memory_space<vmem_shared>>) offsets(%arg6 : memref<80xi32, #tpu.memory_space<vmem>>) semaphore(%run_scoped3A : memref<!tpu.dma_semaphore, #tpu.memory_space<semaphore_mem>>) {add = true}
        %dma_wait3A = arith.constant 0 : i32
        %dma_wait3A_25 = arith.constant 0 : i32
        %dma_wait3A_26 = tpu.memref_slice %arg8[%dma_wait3A, %dma_wait3A_25] : memref<10000x128xf32, #tpu.memory_space<vmem_shared>> -> memref<10000x128xf32, #tpu.memory_space<vmem_shared>>
        tpu.wait_indirect_dma semaphore(%run_scoped3A : memref<!tpu.dma_semaphore, #tpu.memory_space<semaphore_mem>>) src(%arg7 : memref<80x128xf32, #tpu.memory_space<vmem>>) dst(%dma_wait3A_26 : memref<10000x128xf32, #tpu.memory_space<vmem_shared>>)
        tpu.yield
      }) : () -> ()
      %scan3A_22 = arith.constant 0 : i32
      scf.yield %scan3A_22 : i32
    }
    %scan3A_10 = arith.constant 125 : i32
    %barrier3A_11 = arith.constant 0 : index
    tpu.barrier barrier_id(%barrier3A_11)
    %eq3A_12 = arith.constant 0 : i32
    %eq3A_13 = arith.cmpi eq, %arg1, %eq3A_12 : i32
    %convert_element_type3A_14 = arith.extui %eq3A_13 : i1 to i32
    %cond3A_15 = arith.constant 0 : i32
    %cond3A_16 = arith.cmpi ne, %convert_element_type3A_14, %cond3A_15 : i32
    scf.if %cond3A_16 {
      %mul3A_17 = arith.constant 10000 : i32
      %mul3A_18 = arith.muli %arg0, %mul3A_17 : i32
      "tpu.region"() ({
        %run_scoped3A = tpu.sem_alloc : memref<!tpu.dma_semaphore, #tpu.memory_space<semaphore_mem>>
        %dma_start3A = arith.constant 0 : i32
        %dma_start3A_19 = tpu.memref_slice %arg5[%mul3A_18, %dma_start3A] : memref<20000x128xf32, #tpu.memory_space<hbm>> -> memref<10000x128xf32, #tpu.memory_space<hbm>>
        tpu.enqueue_dma source(%arg8 : memref<10000x128xf32, #tpu.memory_space<vmem_shared>>) target(%dma_start3A_19 : memref<10000x128xf32, #tpu.memory_space<hbm>>) target_semaphore(%run_scoped3A : memref<!tpu.dma_semaphore, #tpu.memory_space<semaphore_mem>>)
        %dma_wait3A = arith.constant 0 : i32
        %dma_wait3A_20 = tpu.memref_slice %arg5[%mul3A_18, %dma_wait3A] : memref<20000x128xf32, #tpu.memory_space<hbm>> -> memref<10000x128xf32, #tpu.memory_space<hbm>>
        tpu.wait_dma2 semaphore(%run_scoped3A : memref<!tpu.dma_semaphore, #tpu.memory_space<semaphore_mem>>) src(%arg8 : memref<10000x128xf32, #tpu.memory_space<vmem_shared>>) dst(%dma_wait3A_20 : memref<10000x128xf32, #tpu.memory_space<hbm>>)
        tpu.yield
      }) : () -> ()
    } else {
    }
    return
  }
}

module attributes {stable_mosaic.version = 14 : i64} {
  func.func @_stats_body(%arg0: i32, %arg1: memref<2000x3xf32, #tpu.memory_space<vmem>>, %arg2: memref<2000x3xf32, #tpu.memory_space<vmem>>, %arg3: memref<1x1x2000xi32, #tpu.memory_space<vmem>>, %arg4: memref<64x1xf32, #tpu.memory_space<vmem>>, %arg5: memref<64x8xf32, #tpu.memory_space<vmem>>, %arg6: memref<64x1xf32, #tpu.memory_space<vmem>>) attributes {dimension_semantics = [#tpu.dimension_semantics<arbitrary>], iteration_bounds = array<i64: 5>, scalar_prefetch = 0 : i64, scratch_operands = 0 : i64, tpu.core_type = #tpu.core_type<tc>, window_params = [{transform_indices = @transform_0, window_bounds = array<i64: 2000, 3>}, {transform_indices = @transform_1, window_bounds = array<i64: 2000, 3>}, {transform_indices = @transform_2, window_bounds = array<i64: 1, 1, 2000>}, {pipeline_mode = #tpu.pipeline_mode<synchronous>, transform_indices = @transform_3, window_bounds = array<i64: 64, 1>}, {pipeline_mode = #tpu.pipeline_mode<synchronous>, transform_indices = @transform_4, window_bounds = array<i64: 64, 8>}, {pipeline_mode = #tpu.pipeline_mode<synchronous>, transform_indices = @transform_5, window_bounds = array<i64: 64, 1>}]} {
    %eq3A = arith.constant 0 : i32
    %eq3A_0 = arith.cmpi eq, %arg0, %eq3A : i32
    %convert_element_type3A = arith.extui %eq3A_0 : i1 to i32
    %cond3A = arith.constant 0 : i32
    %cond3A_1 = arith.cmpi ne, %convert_element_type3A, %cond3A : i32
    scf.if %cond3A_1 {
      %broadcast_in_dim3A_27 = arith.constant 0.000000e+00 : f32
      %broadcast_in_dim3A_28 = vector.broadcast %broadcast_in_dim3A_27 : f32 to vector<64x8xf32>
      %swap3A_29 = arith.constant 0 : index
      %swap3A_30 = arith.constant 0 : index
      %swap3A_31 = vector.load %arg5[%swap3A_29, %swap3A_30] : memref<64x8xf32, #tpu.memory_space<vmem>>, vector<64x8xf32>
      tpu.vector_store %arg5[%swap3A_29, %swap3A_30], %broadcast_in_dim3A_28 {strides = array<i32>} : memref<64x8xf32, #tpu.memory_space<vmem>>, vector<64x8xf32>,
      %get3A_32 = arith.constant 0 : index
      %get3A_33 = arith.constant 0 : index
      %get3A_34 = vector.load %arg4[%get3A_32, %get3A_33] : memref<64x1xf32, #tpu.memory_space<vmem>>, vector<64x1xf32>
      %mul3A = arith.constant 2.000000e+01 : f32
      %mul3A_35 = vector.broadcast %mul3A : f32 to vector<64x1xf32>
      %mul3A_36 = arith.mulf %mul3A_35, %get3A_34 : vector<64x1xf32>
      %add3A_37 = arith.constant -1.000000e+01 : f32
      %add3A_38 = vector.broadcast %add3A_37 : f32 to vector<64x1xf32>
      %add3A_39 = arith.addf %add3A_38, %mul3A_36 : vector<64x1xf32>
      %sub3A = arith.constant 1.000000e-03 : f32
      %sub3A_40 = vector.broadcast %sub3A : f32 to vector<64x1xf32>
      %sub3A_41 = arith.subf %get3A_34, %sub3A_40 : vector<64x1xf32>
      %mul3A_42 = arith.constant 2.000000e+01 : f32
      %mul3A_43 = vector.broadcast %mul3A_42 : f32 to vector<64x1xf32>
      %mul3A_44 = arith.mulf %mul3A_43, %sub3A_41 : vector<64x1xf32>
      %add3A_45 = arith.constant -1.000000e+01 : f32
      %add3A_46 = vector.broadcast %add3A_45 : f32 to vector<64x1xf32>
      %add3A_47 = arith.addf %add3A_46, %mul3A_44 : vector<64x1xf32>
      %sub3A_48 = arith.subf %add3A_47, %add3A_39 : vector<64x1xf32>
      %neg3A = arith.constant 0.000000e+00 : f32
      %neg3A_49 = vector.broadcast %neg3A : f32 to vector<64x1xf32>
      %neg3A_50 = arith.subf %neg3A_49, %sub3A_48 : vector<64x1xf32>
      %exp3A = math.exp %neg3A_50 : vector<64x1xf32>
      %sub3A_51 = arith.constant 1.000000e+00 : f32
      %sub3A_52 = vector.broadcast %sub3A_51 : f32 to vector<64x1xf32>
      %sub3A_53 = arith.subf %sub3A_52, %exp3A : vector<64x1xf32>
      %swap3A_54 = arith.constant 0 : index
      %swap3A_55 = arith.constant 0 : index
      %swap3A_56 = vector.load %arg6[%swap3A_54, %swap3A_55] : memref<64x1xf32, #tpu.memory_space<vmem>>, vector<64x1xf32>
      tpu.vector_store %arg6[%swap3A_54, %swap3A_55], %sub3A_53 {strides = array<i32>} : memref<64x1xf32, #tpu.memory_space<vmem>>, vector<64x1xf32>,
    } else {
    }
    %get3A = arith.constant 0 : index
    %get3A_2 = arith.constant 0 : index
    %get3A_3 = arith.constant 0 : index
    %get3A_4 = vector.load %arg3[%get3A, %get3A_2, %get3A_3] : memref<1x1x2000xi32, #tpu.memory_space<vmem>>, vector<1x1x2000xi32>
    %get3A_5 = vector.shape_cast %get3A_4 : vector<1x1x2000xi32> to vector<1x2000xi32>
    %iota3A = tpu.iota {dimensions = array<i32: 0>} : vector<64x2000xi32>
    %eq3A_6 = vector.broadcast %get3A_5 : vector<1x2000xi32> to vector<64x2000xi32>
    %eq3A_7 = arith.cmpi eq, %iota3A, %eq3A_6 : vector<64x2000xi32>
    %convert_element_type3A_8 = arith.extui %eq3A_7 : vector<64x2000xi1> to vector<64x2000xi32>
    %convert_element_type3A_9 = arith.sitofp %convert_element_type3A_8 : vector<64x2000xi32> to vector<64x2000xf32>
    %get3A_10 = arith.constant 0 : index
    %get3A_11 = arith.constant 0 : index
    %get3A_12 = vector.load %arg1[%get3A_10, %get3A_11] : memref<2000x3xf32, #tpu.memory_space<vmem>>, vector<2000x3xf32>
    %dot_general3A = arith.constant dense<0.000000e+00> : vector<64x3xf32>
    %dot_general3A_13 = tpu.matmul %convert_element_type3A_9, %get3A_12, %dot_general3A {dimension_numbers = #tpu.dot_dimension_numbers<[1], [0], [0], [1], [0, 0, 1, 1], [], []>, transpose_lhs_hint = false} : vector<64x2000xf32>, vector<2000x3xf32>, vector<64x3xf32> -> vector<64x3xf32>
    %get3A_14 = arith.constant 0 : index
    %get3A_15 = arith.constant 0 : index
    %get3A_16 = vector.load %arg2[%get3A_14, %get3A_15] : memref<2000x3xf32, #tpu.memory_space<vmem>>, vector<2000x3xf32>
    %dot_general3A_17 = arith.constant dense<0.000000e+00> : vector<64x3xf32>
    %dot_general3A_18 = tpu.matmul %convert_element_type3A_9, %get3A_16, %dot_general3A_17 {dimension_numbers = #tpu.dot_dimension_numbers<[1], [0], [0], [1], [0, 0, 1, 1], [], []>, transpose_lhs_hint = false} : vector<64x2000xf32>, vector<2000x3xf32>, vector<64x3xf32> -> vector<64x3xf32>
    %reduce_sum3A = arith.constant dense<0.000000e+00> : vector<64xf32>
    %reduce_sum3A_19 = vector.multi_reduction <add>, %convert_element_type3A_9, %reduce_sum3A [1] : vector<64x2000xf32> to vector<64xf32>
    %broadcast_in_dim3A = vector.shape_cast %reduce_sum3A_19 : vector<64xf32> to vector<64x1xf32>
    %get3A_20 = arith.constant 0 : index
    %get3A_21 = arith.constant 0 : index
    %get3A_22 = vector.load %arg5[%get3A_20, %get3A_21] : memref<64x8xf32, #tpu.memory_space<vmem>>, vector<64x8xf32>
    %broadcast_in_dim3A_23 = arith.constant 0.000000e+00 : f32
    %broadcast_in_dim3A_24 = vector.broadcast %broadcast_in_dim3A_23 : f32 to vector<64x1xf32>
    %concatenate3A = tpu.concatenate %dot_general3A_13, %dot_general3A_18, %broadcast_in_dim3A, %broadcast_in_dim3A_24 in 1 : vector<64x3xf32>, vector<64x3xf32>, vector<64x1xf32>, vector<64x1xf32> -> vector<64x8xf32>
    %add3A = arith.addf %get3A_22, %concatenate3A : vector<64x8xf32>
    %swap3A = arith.constant 0 : index
    %swap3A_25 = arith.constant 0 : index
    %swap3A_26 = vector.load %arg5[%swap3A, %swap3A_25] : memref<64x8xf32, #tpu.memory_space<vmem>>, vector<64x8xf32>
    tpu.vector_store %arg5[%swap3A, %swap3A_25], %add3A {strides = array<i32>} : memref<64x8xf32, #tpu.memory_space<vmem>>, vector<64x8xf32>,
    return
  }
  func.func @transform_0(%arg0: i32) -> (i32, i32) {
    %c0_i32 = arith.constant 0 : i32
    %c0_i32_0 = arith.constant 0 : i32
    return %arg0, %c0_i32 : i32, i32
  }
  func.func @transform_1(%arg0: i32) -> (i32, i32) {
    %c0_i32 = arith.constant 0 : i32
    %c0_i32_0 = arith.constant 0 : i32
    return %arg0, %c0_i32 : i32, i32
  }
  func.func @transform_2(%arg0: i32) -> (i32, i32, i32) {
    %c0_i32 = arith.constant 0 : i32
    %c0_i32_0 = arith.constant 0 : i32
    %c0_i32_1 = arith.constant 0 : i32
    return %arg0, %c0_i32, %c0_i32_0 : i32, i32, i32
  }
  func.func @transform_3(%arg0: i32) -> (i32, i32) {
    %c0_i32 = arith.constant 0 : i32
    %c0_i32_0 = arith.constant 0 : i32
    %c0_i32_1 = arith.constant 0 : i32
    return %c0_i32, %c0_i32_0 : i32, i32
  }
  func.func @transform_4(%arg0: i32) -> (i32, i32) {
    %c0_i32 = arith.constant 0 : i32
    %c0_i32_0 = arith.constant 0 : i32
    %c0_i32_1 = arith.constant 0 : i32
    return %c0_i32, %c0_i32_0 : i32, i32
  }
  func.func @transform_5(%arg0: i32) -> (i32, i32) {
    %c0_i32 = arith.constant 0 : i32
    %c0_i32_0 = arith.constant 0 : i32
    %c0_i32_1 = arith.constant 0 : i32
    return %c0_i32, %c0_i32_0 : i32, i32
  }
}

module attributes {stable_mosaic.version = 14 : i64} {
  func.func @_pre_body(%arg0: i32, %arg1: memref<64x8xf32, #tpu.memory_space<vmem>>, %arg2: memref<64x1xf32, #tpu.memory_space<vmem>>, %arg3: memref<64x1xf32, #tpu.memory_space<vmem>>, %arg4: memref<2000x3xf32, #tpu.memory_space<vmem>>, %arg5: memref<2000x125xf32, #tpu.memory_space<vmem>>, %arg6: memref<2000x128xf32, #tpu.memory_space<vmem>>, %arg7: memref<2000x1xi32, #tpu.memory_space<vmem>>, %arg8: memref<125x128xf32, #tpu.memory_space<vmem>>, %arg9: memref<1x128xf32, #tpu.memory_space<vmem>>, %arg10: memref<1x128xf32, #tpu.memory_space<vmem>>, %arg11: memref<257x128xf32, #tpu.memory_space<vmem>>, %arg12: memref<1x128xf32, #tpu.memory_space<vmem>>, %arg13: memref<2000x3xf32, #tpu.memory_space<vmem>>, %arg14: memref<2000x128xf32, #tpu.memory_space<vmem>>, %arg15: memref<2000x128xf32, #tpu.memory_space<vmem>>, %arg16: memref<2000x128xf32, #tpu.memory_space<vmem>>, %arg17: memref<2000x3xf32, #tpu.memory_space<vmem>>) attributes {dimension_semantics = [#tpu.dimension_semantics<arbitrary>], iteration_bounds = array<i64: 5>, scalar_prefetch = 0 : i64, scratch_operands = 0 : i64, tpu.core_type = #tpu.core_type<tc>, window_params = [{pipeline_mode = #tpu.pipeline_mode<synchronous>, transform_indices = @transform_0, window_bounds = array<i64: 64, 8>}, {pipeline_mode = #tpu.pipeline_mode<synchronous>, transform_indices = @transform_1, window_bounds = array<i64: 64, 1>}, {pipeline_mode = #tpu.pipeline_mode<synchronous>, transform_indices = @transform_2, window_bounds = array<i64: 64, 1>}, {transform_indices = @transform_3, window_bounds = array<i64: 2000, 3>}, {transform_indices = @transform_4, window_bounds = array<i64: 2000, 125>}, {transform_indices = @transform_5, window_bounds = array<i64: 2000, 128>}, {transform_indices = @transform_6, window_bounds = array<i64: 2000, 1>}, {pipeline_mode = #tpu.pipeline_mode<synchronous>, transform_indices = @transform_7, window_bounds = array<i64: 125, 128>}, {pipeline_mode = #tpu.pipeline_mode<synchronous>, transform_indices = @transform_8, window_bounds = array<i64: 1, 128>}, {pipeline_mode = #tpu.pipeline_mode<synchronous>, transform_indices = @transform_9, window_bounds = array<i64: 1, 128>}, {pipeline_mode = #tpu.pipeline_mode<synchronous>, transform_indices = @transform_10, window_bounds = array<i64: 257, 128>}, {pipeline_mode = #tpu.pipeline_mode<synchronous>, transform_indices = @transform_11, window_bounds = array<i64: 1, 128>}, {transform_indices = @transform_12, window_bounds = array<i64: 2000, 3>}, {transform_indices = @transform_13, window_bounds = array<i64: 2000, 128>}, {transform_indices = @transform_14, window_bounds = array<i64: 2000, 128>}, {transform_indices = @transform_15, window_bounds = array<i64: 2000, 128>}, {transform_indices = @transform_16, window_bounds = array<i64: 2000, 3>}]} {
    %get3A = arith.constant 0 : index
    %get3A_0 = arith.constant 0 : index
    %get3A_1 = vector.load %arg1[%get3A, %get3A_0] : memref<64x8xf32, #tpu.memory_space<vmem>>, vector<64x8xf32>
    %slice3A = vector.extract_strided_slice %get3A_1 {offsets = [0, 6], sizes = [64, 1], strides = [1, 1]} : vector<64x8xf32> to vector<64x1xf32>
    %max3A = arith.constant 1.000000e+00 : f32
    %max3A_2 = vector.broadcast %max3A : f32 to vector<64x1xf32>
    %max3A_3 = arith.maximumf %slice3A, %max3A_2 : vector<64x1xf32>
    %slice3A_4 = vector.extract_strided_slice %get3A_1 {offsets = [0, 0], sizes = [64, 3], strides = [1, 1]} : vector<64x8xf32> to vector<64x3xf32>
    %div3A = vector.broadcast %max3A_3 : vector<64x1xf32> to vector<64x3xf32>
    %div3A_5 = arith.divf %slice3A_4, %div3A : vector<64x3xf32>
    %slice3A_6 = vector.extract_strided_slice %get3A_1 {offsets = [0, 3], sizes = [64, 3], strides = [1, 1]} : vector<64x8xf32> to vector<64x3xf32>
    %div3A_7 = vector.broadcast %max3A_3 : vector<64x1xf32> to vector<64x3xf32>
    %div3A_8 = arith.divf %slice3A_6, %div3A_7 : vector<64x3xf32>
    %get3A_9 = arith.constant 0 : index
    %get3A_10 = arith.constant 0 : index
    %get3A_11 = vector.load %arg7[%get3A_9, %get3A_10] : memref<2000x1xi32, #tpu.memory_space<vmem>>, vector<2000x1xi32>
    %iota3A = tpu.iota {dimensions = array<i32: 1>} : vector<2000x64xi32>
    %eq3A = vector.broadcast %get3A_11 : vector<2000x1xi32> to vector<2000x64xi32>
    %eq3A_12 = arith.cmpi eq, %eq3A, %iota3A : vector<2000x64xi32>
    %convert_element_type3A = arith.extui %eq3A_12 : vector<2000x64xi1> to vector<2000x64xi32>
    %convert_element_type3A_13 = arith.sitofp %convert_element_type3A : vector<2000x64xi32> to vector<2000x64xf32>
    %get3A_14 = arith.constant 0 : index
    %get3A_15 = arith.constant 0 : index
    %get3A_16 = vector.load %arg4[%get3A_14, %get3A_15] : memref<2000x3xf32, #tpu.memory_space<vmem>>, vector<2000x3xf32>
    %dot_general3A = arith.constant dense<0.000000e+00> : vector<2000x3xf32>
    %dot_general3A_17 = tpu.matmul %convert_element_type3A_13, %div3A_5, %dot_general3A {dimension_numbers = #tpu.dot_dimension_numbers<[1], [0], [0], [1], [0, 0, 1, 1], [], []>, transpose_lhs_hint = false} : vector<2000x64xf32>, vector<64x3xf32>, vector<2000x3xf32> -> vector<2000x3xf32>
    %sub3A = arith.subf %get3A_16, %dot_general3A_17 : vector<2000x3xf32>
    %get3A_18 = arith.constant 0 : index
    %get3A_19 = arith.constant 0 : index
    %get3A_20 = vector.load %arg6[%get3A_18, %get3A_19] : memref<2000x128xf32, #tpu.memory_space<vmem>>, vector<2000x128xf32>
    %slice3A_21 = vector.extract_strided_slice %get3A_20 {offsets = [0, 0], sizes = [2000, 3], strides = [1, 1]} : vector<2000x128xf32> to vector<2000x3xf32>
    %slice3A_22 = vector.extract_strided_slice %get3A_20 {offsets = [0, 3], sizes = [2000, 125], strides = [1, 1]} : vector<2000x128xf32> to vector<2000x125xf32>
    %dot_general3A_23 = arith.constant dense<0.000000e+00> : vector<2000x3xf32>
    %dot_general3A_24 = tpu.matmul %convert_element_type3A_13, %div3A_8, %dot_general3A_23 {dimension_numbers = #tpu.dot_dimension_numbers<[1], [0], [0], [1], [0, 0, 1, 1], [], []>, transpose_lhs_hint = false} : vector<2000x64xf32>, vector<64x3xf32>, vector<2000x3xf32> -> vector<2000x3xf32>
    %sub3A_25 = arith.subf %slice3A_21, %dot_general3A_24 : vector<2000x3xf32>
    %get3A_26 = arith.constant 0 : index
    %get3A_27 = arith.constant 0 : index
    %get3A_28 = vector.load %arg2[%get3A_26, %get3A_27] : memref<64x1xf32, #tpu.memory_space<vmem>>, vector<64x1xf32>
    %mul3A = arith.constant 2.000000e+01 : f32
    %mul3A_29 = vector.broadcast %mul3A : f32 to vector<64x1xf32>
    %mul3A_30 = arith.mulf %mul3A_29, %get3A_28 : vector<64x1xf32>
    %add3A = arith.constant -1.000000e+01 : f32
    %add3A_31 = vector.broadcast %add3A : f32 to vector<64x1xf32>
    %add3A_32 = arith.addf %add3A_31, %mul3A_30 : vector<64x1xf32>
    %neg3A = arith.constant 0.000000e+00 : f32
    %neg3A_33 = vector.broadcast %neg3A : f32 to vector<64x1xf32>
    %neg3A_34 = arith.subf %neg3A_33, %add3A_32 : vector<64x1xf32>
    %logistic3A = arith.negf %neg3A_34 : vector<64x1xf32>
    %logistic3A_35 = math.exp %logistic3A : vector<64x1xf32>
    %logistic3A_36 = arith.constant 1.000000e+00 : f32
    %logistic3A_37 = vector.broadcast %logistic3A_36 : f32 to vector<64x1xf32>
    %logistic3A_38 = arith.addf %logistic3A_37, %logistic3A_35 : vector<64x1xf32>
    %logistic3A_39 = arith.divf %logistic3A_37, %logistic3A_38 : vector<64x1xf32>
    %sqrt3A = math.sqrt %logistic3A_39 : vector<64x1xf32>
    %logistic3A_40 = arith.negf %add3A_32 : vector<64x1xf32>
    %logistic3A_41 = math.exp %logistic3A_40 : vector<64x1xf32>
    %logistic3A_42 = arith.constant 1.000000e+00 : f32
    %logistic3A_43 = vector.broadcast %logistic3A_42 : f32 to vector<64x1xf32>
    %logistic3A_44 = arith.addf %logistic3A_43, %logistic3A_41 : vector<64x1xf32>
    %logistic3A_45 = arith.divf %logistic3A_43, %logistic3A_44 : vector<64x1xf32>
    %sqrt3A_46 = math.sqrt %logistic3A_45 : vector<64x1xf32>
    %dot_general3A_47 = arith.constant dense<0.000000e+00> : vector<2000x1xf32>
    %dot_general3A_48 = tpu.matmul %convert_element_type3A_13, %sqrt3A, %dot_general3A_47 {dimension_numbers = #tpu.dot_dimension_numbers<[1], [0], [0], [1], [0, 0, 1, 1], [], []>, transpose_lhs_hint = false} : vector<2000x64xf32>, vector<64x1xf32>, vector<2000x1xf32> -> vector<2000x1xf32>
    %dot_general3A_49 = arith.constant dense<0.000000e+00> : vector<2000x1xf32>
    %dot_general3A_50 = tpu.matmul %convert_element_type3A_13, %sqrt3A_46, %dot_general3A_49 {dimension_numbers = #tpu.dot_dimension_numbers<[1], [0], [0], [1], [0, 0, 1, 1], [], []>, transpose_lhs_hint = false} : vector<2000x64xf32>, vector<64x1xf32>, vector<2000x1xf32> -> vector<2000x1xf32>
    %mul3A_51 = vector.broadcast %dot_general3A_48 : vector<2000x1xf32> to vector<2000x3xf32>
    %mul3A_52 = arith.mulf %mul3A_51, %sub3A : vector<2000x3xf32>
    %mul3A_53 = vector.broadcast %dot_general3A_50 : vector<2000x1xf32> to vector<2000x3xf32>
    %mul3A_54 = arith.mulf %mul3A_53, %sub3A_25 : vector<2000x3xf32>
    %add3A_55 = arith.addf %mul3A_52, %mul3A_54 : vector<2000x3xf32>
    %get3A_56 = arith.constant 0 : index
    %get3A_57 = arith.constant 0 : index
    %get3A_58 = vector.load %arg5[%get3A_56, %get3A_57] : memref<2000x125xf32, #tpu.memory_space<vmem>>, vector<2000x125xf32>
    %mul3A_59 = vector.broadcast %dot_general3A_48 : vector<2000x1xf32> to vector<2000x125xf32>
    %mul3A_60 = arith.mulf %mul3A_59, %get3A_58 : vector<2000x125xf32>
    %mul3A_61 = vector.broadcast %dot_general3A_50 : vector<2000x1xf32> to vector<2000x125xf32>
    %mul3A_62 = arith.mulf %mul3A_61, %slice3A_22 : vector<2000x125xf32>
    %add3A_63 = arith.addf %mul3A_60, %mul3A_62 : vector<2000x125xf32>
    %dot_general3A_64 = arith.constant dense<0.000000e+00> : vector<2000x1xf32>
    %dot_general3A_65 = tpu.matmul %convert_element_type3A_13, %get3A_28, %dot_general3A_64 {dimension_numbers = #tpu.dot_dimension_numbers<[1], [0], [0], [1], [0, 0, 1, 1], [], []>, transpose_lhs_hint = false} : vector<2000x64xf32>, vector<64x1xf32>, vector<2000x1xf32> -> vector<2000x1xf32>
    %get3A_66 = arith.constant 0 : index
    %get3A_67 = arith.constant 0 : index
    %get3A_68 = vector.load %arg3[%get3A_66, %get3A_67] : memref<64x1xf32, #tpu.memory_space<vmem>>, vector<64x1xf32>
    %dot_general3A_69 = arith.constant dense<0.000000e+00> : vector<2000x1xf32>
    %dot_general3A_70 = tpu.matmul %convert_element_type3A_13, %get3A_68, %dot_general3A_69 {dimension_numbers = #tpu.dot_dimension_numbers<[1], [0], [0], [1], [0, 0, 1, 1], [], []>, transpose_lhs_hint = false} : vector<2000x64xf32>, vector<64x1xf32>, vector<2000x1xf32> -> vector<2000x1xf32>
    %get3A_71 = arith.constant 0 : index
    %get3A_72 = arith.constant 0 : index
    %get3A_73 = vector.load %arg8[%get3A_71, %get3A_72] : memref<125x128xf32, #tpu.memory_space<vmem>>, vector<125x128xf32>
    %dot_general3A_74 = arith.constant dense<0.000000e+00> : vector<2000x128xf32>
    %dot_general3A_75 = tpu.matmul %add3A_63, %get3A_73, %dot_general3A_74 {dimension_numbers = #tpu.dot_dimension_numbers<[1], [0], [0], [1], [0, 0, 1, 1], [], []>, transpose_lhs_hint = false} : vector<2000x125xf32>, vector<125x128xf32>, vector<2000x128xf32> -> vector<2000x128xf32>
    %get3A_76 = arith.constant 0 : index
    %get3A_77 = arith.constant 0 : index
    %get3A_78 = vector.load %arg9[%get3A_76, %get3A_77] : memref<1x128xf32, #tpu.memory_space<vmem>>, vector<1x128xf32>
    %mul3A_79 = vector.broadcast %dot_general3A_65 : vector<2000x1xf32> to vector<2000x128xf32>
    %mul3A_80 = vector.broadcast %get3A_78 : vector<1x128xf32> to vector<2000x128xf32>
    %mul3A_81 = arith.mulf %mul3A_79, %mul3A_80 : vector<2000x128xf32>
    %add3A_82 = arith.addf %dot_general3A_75, %mul3A_81 : vector<2000x128xf32>
    %get3A_83 = arith.constant 0 : index
    %get3A_84 = arith.constant 0 : index
    %get3A_85 = vector.load %arg10[%get3A_83, %get3A_84] : memref<1x128xf32, #tpu.memory_space<vmem>>, vector<1x128xf32>
    %mul3A_86 = vector.broadcast %dot_general3A_70 : vector<2000x1xf32> to vector<2000x128xf32>
    %mul3A_87 = vector.broadcast %get3A_85 : vector<1x128xf32> to vector<2000x128xf32>
    %mul3A_88 = arith.mulf %mul3A_86, %mul3A_87 : vector<2000x128xf32>
    %add3A_89 = arith.addf %add3A_82, %mul3A_88 : vector<2000x128xf32>
    %get3A_90 = arith.constant 0 : index
    %get3A_91 = arith.constant 0 : index
    %get3A_92 = vector.load %arg11[%get3A_90, %get3A_91] : memref<257x128xf32, #tpu.memory_space<vmem>>, vector<257x128xf32>
    %slice3A_93 = vector.extract_strided_slice %get3A_92 {offsets = [0, 0], sizes = [128, 128], strides = [1, 1]} : vector<257x128xf32> to vector<128x128xf32>
    %dot_general3A_94 = arith.constant dense<0.000000e+00> : vector<2000x128xf32>
    %dot_general3A_95 = tpu.matmul %add3A_89, %slice3A_93, %dot_general3A_94 {dimension_numbers = #tpu.dot_dimension_numbers<[1], [0], [0], [1], [0, 0, 1, 1], [], []>, transpose_lhs_hint = false} : vector<2000x128xf32>, vector<128x128xf32>, vector<2000x128xf32> -> vector<2000x128xf32>
    %get3A_96 = arith.constant 0 : index
    %get3A_97 = arith.constant 0 : index
    %get3A_98 = vector.load %arg12[%get3A_96, %get3A_97] : memref<1x128xf32, #tpu.memory_space<vmem>>, vector<1x128xf32>
    %add3A_99 = vector.broadcast %get3A_98 : vector<1x128xf32> to vector<2000x128xf32>
    %add3A_100 = arith.addf %dot_general3A_95, %add3A_99 : vector<2000x128xf32>
    %slice3A_101 = vector.extract_strided_slice %get3A_92 {offsets = [128, 0], sizes = [128, 128], strides = [1, 1]} : vector<257x128xf32> to vector<128x128xf32>
    %dot_general3A_102 = arith.constant dense<0.000000e+00> : vector<2000x128xf32>
    %dot_general3A_103 = tpu.matmul %add3A_89, %slice3A_101, %dot_general3A_102 {dimension_numbers = #tpu.dot_dimension_numbers<[1], [0], [0], [1], [0, 0, 1, 1], [], []>, transpose_lhs_hint = false} : vector<2000x128xf32>, vector<128x128xf32>, vector<2000x128xf32> -> vector<2000x128xf32>
    %swap3A = arith.constant 0 : index
    %swap3A_104 = arith.constant 0 : index
    %swap3A_105 = vector.load %arg13[%swap3A, %swap3A_104] : memref<2000x3xf32, #tpu.memory_space<vmem>>, vector<2000x3xf32>
    tpu.vector_store %arg13[%swap3A, %swap3A_104], %sub3A_25 {strides = array<i32>} : memref<2000x3xf32, #tpu.memory_space<vmem>>, vector<2000x3xf32>,
    %swap3A_106 = arith.constant 0 : index
    %swap3A_107 = arith.constant 0 : index
    %swap3A_108 = vector.load %arg14[%swap3A_106, %swap3A_107] : memref<2000x128xf32, #tpu.memory_space<vmem>>, vector<2000x128xf32>
    tpu.vector_store %arg14[%swap3A_106, %swap3A_107], %add3A_89 {strides = array<i32>} : memref<2000x128xf32, #tpu.memory_space<vmem>>, vector<2000x128xf32>,
    %swap3A_109 = arith.constant 0 : index
    %swap3A_110 = arith.constant 0 : index
    %swap3A_111 = vector.load %arg15[%swap3A_109, %swap3A_110] : memref<2000x128xf32, #tpu.memory_space<vmem>>, vector<2000x128xf32>
    tpu.vector_store %arg15[%swap3A_109, %swap3A_110], %add3A_100 {strides = array<i32>} : memref<2000x128xf32, #tpu.memory_space<vmem>>, vector<2000x128xf32>,
    %swap3A_112 = arith.constant 0 : index
    %swap3A_113 = arith.constant 0 : index
    %swap3A_114 = vector.load %arg16[%swap3A_112, %swap3A_113] : memref<2000x128xf32, #tpu.memory_space<vmem>>, vector<2000x128xf32>
    tpu.vector_store %arg16[%swap3A_112, %swap3A_113], %dot_general3A_103 {strides = array<i32>} : memref<2000x128xf32, #tpu.memory_space<vmem>>, vector<2000x128xf32>,
    %swap3A_115 = arith.constant 0 : index
    %swap3A_116 = arith.constant 0 : index
    %swap3A_117 = vector.load %arg17[%swap3A_115, %swap3A_116] : memref<2000x3xf32, #tpu.memory_space<vmem>>, vector<2000x3xf32>
    tpu.vector_store %arg17[%swap3A_115, %swap3A_116], %add3A_55 {strides = array<i32>} : memref<2000x3xf32, #tpu.memory_space<vmem>>, vector<2000x3xf32>,
    return
  }
  func.func @transform_0(%arg0: i32) -> (i32, i32) {
    %c0_i32 = arith.constant 0 : i32
    %c0_i32_0 = arith.constant 0 : i32
    %c0_i32_1 = arith.constant 0 : i32
    return %c0_i32, %c0_i32_0 : i32, i32
  }
  func.func @transform_1(%arg0: i32) -> (i32, i32) {
    %c0_i32 = arith.constant 0 : i32
    %c0_i32_0 = arith.constant 0 : i32
    %c0_i32_1 = arith.constant 0 : i32
    return %c0_i32, %c0_i32_0 : i32, i32
  }
  func.func @transform_2(%arg0: i32) -> (i32, i32) {
    %c0_i32 = arith.constant 0 : i32
    %c0_i32_0 = arith.constant 0 : i32
    %c0_i32_1 = arith.constant 0 : i32
    return %c0_i32, %c0_i32_0 : i32, i32
  }
  func.func @transform_3(%arg0: i32) -> (i32, i32) {
    %c0_i32 = arith.constant 0 : i32
    %c0_i32_0 = arith.constant 0 : i32
    return %arg0, %c0_i32 : i32, i32
  }
  func.func @transform_4(%arg0: i32) -> (i32, i32) {
    %c0_i32 = arith.constant 0 : i32
    %c0_i32_0 = arith.constant 0 : i32
    return %arg0, %c0_i32 : i32, i32
  }
  func.func @transform_5(%arg0: i32) -> (i32, i32) {
    %c0_i32 = arith.constant 0 : i32
    %c0_i32_0 = arith.constant 0 : i32
    return %arg0, %c0_i32 : i32, i32
  }
  func.func @transform_6(%arg0: i32) -> (i32, i32) {
    %c0_i32 = arith.constant 0 : i32
    %c0_i32_0 = arith.constant 0 : i32
    return %arg0, %c0_i32 : i32, i32
  }
  func.func @transform_7(%arg0: i32) -> (i32, i32) {
    %c0_i32 = arith.constant 0 : i32
    %c0_i32_0 = arith.constant 0 : i32
    %c0_i32_1 = arith.constant 0 : i32
    return %c0_i32, %c0_i32_0 : i32, i32
  }
  func.func @transform_8(%arg0: i32) -> (i32, i32) {
    %c0_i32 = arith.constant 0 : i32
    %c0_i32_0 = arith.constant 0 : i32
    %c0_i32_1 = arith.constant 0 : i32
    return %c0_i32, %c0_i32_0 : i32, i32
  }
  func.func @transform_9(%arg0: i32) -> (i32, i32) {
    %c0_i32 = arith.constant 0 : i32
    %c0_i32_0 = arith.constant 0 : i32
    %c0_i32_1 = arith.constant 0 : i32
    return %c0_i32, %c0_i32_0 : i32, i32
  }
  func.func @transform_10(%arg0: i32) -> (i32, i32) {
    %c0_i32 = arith.constant 0 : i32
    %c0_i32_0 = arith.constant 0 : i32
    %c0_i32_1 = arith.constant 0 : i32
    return %c0_i32, %c0_i32_0 : i32, i32
  }
  func.func @transform_11(%arg0: i32) -> (i32, i32) {
    %c0_i32 = arith.constant 0 : i32
    %c0_i32_0 = arith.constant 0 : i32
    %c0_i32_1 = arith.constant 0 : i32
    return %c0_i32, %c0_i32_0 : i32, i32
  }
  func.func @transform_12(%arg0: i32) -> (i32, i32) {
    %c0_i32 = arith.constant 0 : i32
    %c0_i32_0 = arith.constant 0 : i32
    return %arg0, %c0_i32 : i32, i32
  }
  func.func @transform_13(%arg0: i32) -> (i32, i32) {
    %c0_i32 = arith.constant 0 : i32
    %c0_i32_0 = arith.constant 0 : i32
    return %arg0, %c0_i32 : i32, i32
  }
  func.func @transform_14(%arg0: i32) -> (i32, i32) {
    %c0_i32 = arith.constant 0 : i32
    %c0_i32_0 = arith.constant 0 : i32
    return %arg0, %c0_i32 : i32, i32
  }
  func.func @transform_15(%arg0: i32) -> (i32, i32) {
    %c0_i32 = arith.constant 0 : i32
    %c0_i32_0 = arith.constant 0 : i32
    return %arg0, %c0_i32 : i32, i32
  }
  func.func @transform_16(%arg0: i32) -> (i32, i32) {
    %c0_i32 = arith.constant 0 : i32
    %c0_i32_0 = arith.constant 0 : i32
    return %arg0, %c0_i32 : i32, i32
  }
}

module attributes {stable_mosaic.version = 14 : i64} {
  func.func @_edge_body(%arg0: i32, %arg1: memref<2560x128xf32, #tpu.memory_space<vmem>>, %arg2: memref<2560x128xf32, #tpu.memory_space<vmem>>, %arg3: memref<1x1x2560xf32, #tpu.memory_space<vmem>>, %arg4: memref<1x1x2560xf32, #tpu.memory_space<vmem>>, %arg5: memref<1x1x2560xf32, #tpu.memory_space<vmem>>, %arg6: memref<1x1x2560xf32, #tpu.memory_space<vmem>>, %arg7: memref<128x128xf32, #tpu.memory_space<vmem>>, %arg8: memref<1x128xf32, #tpu.memory_space<vmem>>, %arg9: memref<1x128xf32, #tpu.memory_space<vmem>>, %arg10: memref<1x128xf32, #tpu.memory_space<vmem>>, %arg11: memref<2560x128xf32, #tpu.memory_space<vmem>>, %arg12: memref<1x1x2560xf32, #tpu.memory_space<vmem>>, %arg13: memref<1x1x2560xf32, #tpu.memory_space<vmem>>, %arg14: memref<1x1x2560xf32, #tpu.memory_space<vmem>>) attributes {dimension_semantics = [#tpu.dimension_semantics<arbitrary>], iteration_bounds = array<i64: 125>, scalar_prefetch = 0 : i64, scratch_operands = 0 : i64, tpu.core_type = #tpu.core_type<tc>, window_params = [{transform_indices = @transform_0, window_bounds = array<i64: 2560, 128>}, {transform_indices = @transform_1, window_bounds = array<i64: 2560, 128>}, {transform_indices = @transform_2, window_bounds = array<i64: 1, 1, 2560>}, {transform_indices = @transform_3, window_bounds = array<i64: 1, 1, 2560>}, {transform_indices = @transform_4, window_bounds = array<i64: 1, 1, 2560>}, {transform_indices = @transform_5, window_bounds = array<i64: 1, 1, 2560>}, {pipeline_mode = #tpu.pipeline_mode<synchronous>, transform_indices = @transform_6, window_bounds = array<i64: 128, 128>}, {pipeline_mode = #tpu.pipeline_mode<synchronous>, transform_indices = @transform_7, window_bounds = array<i64: 1, 128>}, {pipeline_mode = #tpu.pipeline_mode<synchronous>, transform_indices = @transform_8, window_bounds = array<i64: 1, 128>}, {pipeline_mode = #tpu.pipeline_mode<synchronous>, transform_indices = @transform_9, window_bounds = array<i64: 1, 128>}, {transform_indices = @transform_10, window_bounds = array<i64: 2560, 128>}, {transform_indices = @transform_11, window_bounds = array<i64: 1, 1, 2560>}, {transform_indices = @transform_12, window_bounds = array<i64: 1, 1, 2560>}, {transform_indices = @transform_13, window_bounds = array<i64: 1, 1, 2560>}]} {
    %get3A = arith.constant 0 : index
    %get3A_0 = arith.constant 0 : index
    %get3A_1 = arith.constant 0 : index
    %get3A_2 = vector.load %arg6[%get3A, %get3A_0, %get3A_1] : memref<1x1x2560xf32, #tpu.memory_space<vmem>>, vector<1x1x2560xf32>
    %get3A_3 = vector.shape_cast %get3A_2 : vector<1x1x2560xf32> to vector<1x2560xf32>
    %get3A_4 = arith.constant 0 : index
    %get3A_5 = arith.constant 0 : index
    %get3A_6 = vector.load %arg10[%get3A_4, %get3A_5] : memref<1x128xf32, #tpu.memory_space<vmem>>, vector<1x128xf32>
    %dot_general3A = arith.constant dense<0.000000e+00> : vector<2560x128xf32>
    %dot_general3A_7 = tpu.matmul %get3A_3, %get3A_6, %dot_general3A {dimension_numbers = #tpu.dot_dimension_numbers<[0], [0], [1], [1], [0, 1, 1, 1], [], []>, transpose_lhs_hint = false} : vector<1x2560xf32>, vector<1x128xf32>, vector<2560x128xf32> -> vector<2560x128xf32>
    %get3A_8 = arith.constant 0 : index
    %get3A_9 = arith.constant 0 : index
    %get3A_10 = vector.load %arg1[%get3A_8, %get3A_9] : memref<2560x128xf32, #tpu.memory_space<vmem>>, vector<2560x128xf32>
    %get3A_11 = arith.constant 0 : index
    %get3A_12 = arith.constant 0 : index
    %get3A_13 = vector.load %arg2[%get3A_11, %get3A_12] : memref<2560x128xf32, #tpu.memory_space<vmem>>, vector<2560x128xf32>
    %add3A = arith.addf %get3A_10, %get3A_13 : vector<2560x128xf32>
    %add3A_14 = arith.addf %add3A, %dot_general3A_7 : vector<2560x128xf32>
    %max3A = arith.constant 0.000000e+00 : f32
    %max3A_15 = vector.broadcast %max3A : f32 to vector<2560x128xf32>
    %max3A_16 = arith.maximumf %add3A_14, %max3A_15 : vector<2560x128xf32>
    %get3A_17 = arith.constant 0 : index
    %get3A_18 = arith.constant 0 : index
    %get3A_19 = vector.load %arg7[%get3A_17, %get3A_18] : memref<128x128xf32, #tpu.memory_space<vmem>>, vector<128x128xf32>
    %dot_general3A_20 = arith.constant dense<0.000000e+00> : vector<2560x128xf32>
    %dot_general3A_21 = tpu.matmul %max3A_16, %get3A_19, %dot_general3A_20 {dimension_numbers = #tpu.dot_dimension_numbers<[1], [0], [0], [1], [0, 0, 1, 1], [], []>, transpose_lhs_hint = false} : vector<2560x128xf32>, vector<128x128xf32>, vector<2560x128xf32> -> vector<2560x128xf32>
    %get3A_22 = arith.constant 0 : index
    %get3A_23 = arith.constant 0 : index
    %get3A_24 = vector.load %arg8[%get3A_22, %get3A_23] : memref<1x128xf32, #tpu.memory_space<vmem>>, vector<1x128xf32>
    %add3A_25 = vector.broadcast %get3A_24 : vector<1x128xf32> to vector<2560x128xf32>
    %add3A_26 = arith.addf %dot_general3A_21, %add3A_25 : vector<2560x128xf32>
    %max3A_27 = arith.constant 0.000000e+00 : f32
    %max3A_28 = vector.broadcast %max3A_27 : f32 to vector<2560x128xf32>
    %max3A_29 = arith.maximumf %add3A_26, %max3A_28 : vector<2560x128xf32>
    %get3A_30 = arith.constant 0 : index
    %get3A_31 = arith.constant 0 : index
    %get3A_32 = vector.load %arg9[%get3A_30, %get3A_31] : memref<1x128xf32, #tpu.memory_space<vmem>>, vector<1x128xf32>
    %dot_general3A_33 = arith.constant dense<0.000000e+00> : vector<1x2560xf32>
    %dot_general3A_34 = tpu.matmul %get3A_32, %max3A_29, %dot_general3A_33 {dimension_numbers = #tpu.dot_dimension_numbers<[1], [1], [0], [0], [0, 0, 1, 0], [], []>, transpose_lhs_hint = false} : vector<1x128xf32>, vector<2560x128xf32>, vector<1x2560xf32> -> vector<1x2560xf32>
    %tanh3A = math.tanh %dot_general3A_34 : vector<1x2560xf32>
    %swap3A = arith.constant 0 : index
    %swap3A_35 = arith.constant 0 : index
    %swap3A_36 = vector.load %arg11[%swap3A, %swap3A_35] : memref<2560x128xf32, #tpu.memory_space<vmem>>, vector<2560x128xf32>
    tpu.vector_store %arg11[%swap3A, %swap3A_35], %max3A_29 {strides = array<i32>} : memref<2560x128xf32, #tpu.memory_space<vmem>>, vector<2560x128xf32>,
    %get3A_37 = arith.constant 0 : index
    %get3A_38 = arith.constant 0 : index
    %get3A_39 = arith.constant 0 : index
    %get3A_40 = vector.load %arg3[%get3A_37, %get3A_38, %get3A_39] : memref<1x1x2560xf32, #tpu.memory_space<vmem>>, vector<1x1x2560xf32>
    %get3A_41 = vector.shape_cast %get3A_40 : vector<1x1x2560xf32> to vector<1x2560xf32>
    %mul3A = arith.mulf %get3A_41, %tanh3A : vector<1x2560xf32>
    %swap3A_42 = arith.constant 0 : index
    %swap3A_43 = arith.constant 0 : index
    %swap3A_44 = arith.constant 0 : index
    %swap3A_45 = vector.load %arg12[%swap3A_42, %swap3A_43, %swap3A_44] : memref<1x1x2560xf32, #tpu.memory_space<vmem>>, vector<1x1x2560xf32>
    %swap3A_46 = vector.shape_cast %swap3A_45 : vector<1x1x2560xf32> to vector<1x2560xf32>
    %swap3A_47 = vector.shape_cast %mul3A : vector<1x2560xf32> to vector<1x1x2560xf32>
    tpu.vector_store %arg12[%swap3A_42, %swap3A_43, %swap3A_44], %swap3A_47 {strides = array<i32>} : memref<1x1x2560xf32, #tpu.memory_space<vmem>>, vector<1x1x2560xf32>,
    %get3A_48 = arith.constant 0 : index
    %get3A_49 = arith.constant 0 : index
    %get3A_50 = arith.constant 0 : index
    %get3A_51 = vector.load %arg4[%get3A_48, %get3A_49, %get3A_50] : memref<1x1x2560xf32, #tpu.memory_space<vmem>>, vector<1x1x2560xf32>
    %get3A_52 = vector.shape_cast %get3A_51 : vector<1x1x2560xf32> to vector<1x2560xf32>
    %mul3A_53 = arith.mulf %get3A_52, %tanh3A : vector<1x2560xf32>
    %swap3A_54 = arith.constant 0 : index
    %swap3A_55 = arith.constant 0 : index
    %swap3A_56 = arith.constant 0 : index
    %swap3A_57 = vector.load %arg13[%swap3A_54, %swap3A_55, %swap3A_56] : memref<1x1x2560xf32, #tpu.memory_space<vmem>>, vector<1x1x2560xf32>
    %swap3A_58 = vector.shape_cast %swap3A_57 : vector<1x1x2560xf32> to vector<1x2560xf32>
    %swap3A_59 = vector.shape_cast %mul3A_53 : vector<1x2560xf32> to vector<1x1x2560xf32>
    tpu.vector_store %arg13[%swap3A_54, %swap3A_55, %swap3A_56], %swap3A_59 {strides = array<i32>} : memref<1x1x2560xf32, #tpu.memory_space<vmem>>, vector<1x1x2560xf32>,
    %get3A_60 = arith.constant 0 : index
    %get3A_61 = arith.constant 0 : index
    %get3A_62 = arith.constant 0 : index
    %get3A_63 = vector.load %arg5[%get3A_60, %get3A_61, %get3A_62] : memref<1x1x2560xf32, #tpu.memory_space<vmem>>, vector<1x1x2560xf32>
    %get3A_64 = vector.shape_cast %get3A_63 : vector<1x1x2560xf32> to vector<1x2560xf32>
    %mul3A_65 = arith.mulf %get3A_64, %tanh3A : vector<1x2560xf32>
    %swap3A_66 = arith.constant 0 : index
    %swap3A_67 = arith.constant 0 : index
    %swap3A_68 = arith.constant 0 : index
    %swap3A_69 = vector.load %arg14[%swap3A_66, %swap3A_67, %swap3A_68] : memref<1x1x2560xf32, #tpu.memory_space<vmem>>, vector<1x1x2560xf32>
    %swap3A_70 = vector.shape_cast %swap3A_69 : vector<1x1x2560xf32> to vector<1x2560xf32>
    %swap3A_71 = vector.shape_cast %mul3A_65 : vector<1x2560xf32> to vector<1x1x2560xf32>
    tpu.vector_store %arg14[%swap3A_66, %swap3A_67, %swap3A_68], %swap3A_71 {strides = array<i32>} : memref<1x1x2560xf32, #tpu.memory_space<vmem>>, vector<1x1x2560xf32>,
    return
  }
  func.func @transform_0(%arg0: i32) -> (i32, i32) {
    %c0_i32 = arith.constant 0 : i32
    %c0_i32_0 = arith.constant 0 : i32
    return %arg0, %c0_i32 : i32, i32
  }
  func.func @transform_1(%arg0: i32) -> (i32, i32) {
    %c0_i32 = arith.constant 0 : i32
    %c0_i32_0 = arith.constant 0 : i32
    return %arg0, %c0_i32 : i32, i32
  }
  func.func @transform_2(%arg0: i32) -> (i32, i32, i32) {
    %c0_i32 = arith.constant 0 : i32
    %c0_i32_0 = arith.constant 0 : i32
    %c0_i32_1 = arith.constant 0 : i32
    return %arg0, %c0_i32, %c0_i32_0 : i32, i32, i32
  }
  func.func @transform_3(%arg0: i32) -> (i32, i32, i32) {
    %c0_i32 = arith.constant 0 : i32
    %c0_i32_0 = arith.constant 0 : i32
    %c0_i32_1 = arith.constant 0 : i32
    return %arg0, %c0_i32, %c0_i32_0 : i32, i32, i32
  }
  func.func @transform_4(%arg0: i32) -> (i32, i32, i32) {
    %c0_i32 = arith.constant 0 : i32
    %c0_i32_0 = arith.constant 0 : i32
    %c0_i32_1 = arith.constant 0 : i32
    return %arg0, %c0_i32, %c0_i32_0 : i32, i32, i32
  }
  func.func @transform_5(%arg0: i32) -> (i32, i32, i32) {
    %c0_i32 = arith.constant 0 : i32
    %c0_i32_0 = arith.constant 0 : i32
    %c0_i32_1 = arith.constant 0 : i32
    return %arg0, %c0_i32, %c0_i32_0 : i32, i32, i32
  }
  func.func @transform_6(%arg0: i32) -> (i32, i32) {
    %c0_i32 = arith.constant 0 : i32
    %c0_i32_0 = arith.constant 0 : i32
    %c0_i32_1 = arith.constant 0 : i32
    return %c0_i32, %c0_i32_0 : i32, i32
  }
  func.func @transform_7(%arg0: i32) -> (i32, i32) {
    %c0_i32 = arith.constant 0 : i32
    %c0_i32_0 = arith.constant 0 : i32
    %c0_i32_1 = arith.constant 0 : i32
    return %c0_i32, %c0_i32_0 : i32, i32
  }
  func.func @transform_8(%arg0: i32) -> (i32, i32) {
    %c0_i32 = arith.constant 0 : i32
    %c0_i32_0 = arith.constant 0 : i32
    %c0_i32_1 = arith.constant 0 : i32
    return %c0_i32, %c0_i32_0 : i32, i32
  }
  func.func @transform_9(%arg0: i32) -> (i32, i32) {
    %c0_i32 = arith.constant 0 : i32
    %c0_i32_0 = arith.constant 0 : i32
    %c0_i32_1 = arith.constant 0 : i32
    return %c0_i32, %c0_i32_0 : i32, i32
  }
  func.func @transform_10(%arg0: i32) -> (i32, i32) {
    %c0_i32 = arith.constant 0 : i32
    %c0_i32_0 = arith.constant 0 : i32
    return %arg0, %c0_i32 : i32, i32
  }
  func.func @transform_11(%arg0: i32) -> (i32, i32, i32) {
    %c0_i32 = arith.constant 0 : i32
    %c0_i32_0 = arith.constant 0 : i32
    %c0_i32_1 = arith.constant 0 : i32
    return %arg0, %c0_i32, %c0_i32_0 : i32, i32, i32
  }
  func.func @transform_12(%arg0: i32) -> (i32, i32, i32) {
    %c0_i32 = arith.constant 0 : i32
    %c0_i32_0 = arith.constant 0 : i32
    %c0_i32_1 = arith.constant 0 : i32
    return %arg0, %c0_i32, %c0_i32_0 : i32, i32, i32
  }
  func.func @transform_13(%arg0: i32) -> (i32, i32, i32) {
    %c0_i32 = arith.constant 0 : i32
    %c0_i32_0 = arith.constant 0 : i32
    %c0_i32_1 = arith.constant 0 : i32
    return %arg0, %c0_i32, %c0_i32_0 : i32, i32, i32
  }
}

module attributes {stable_mosaic.version = 14 : i64} {
  func.func @_xstats_body(%arg0: i32, %arg1: memref<32x8x10000xf32, #tpu.memory_space<vmem>>, %arg2: memref<1x10000xi32, #tpu.memory_space<vmem>>, %arg3: memref<64x8xf32, #tpu.memory_space<vmem>>, %arg4: memref<10000x3xf32, #tpu.memory_space<vmem>>) attributes {dimension_semantics = [#tpu.dimension_semantics<arbitrary>], iteration_bounds = array<i64: 1>, scalar_prefetch = 0 : i64, scratch_operands = 0 : i64, tpu.core_type = #tpu.core_type<tc>, window_params = [{pipeline_mode = #tpu.pipeline_mode<synchronous>, transform_indices = @transform_0, window_bounds = array<i64: 32, 8, 10000>}, {pipeline_mode = #tpu.pipeline_mode<synchronous>, transform_indices = @transform_1, window_bounds = array<i64: 1, 10000>}, {pipeline_mode = #tpu.pipeline_mode<synchronous>, transform_indices = @transform_2, window_bounds = array<i64: 64, 8>}, {pipeline_mode = #tpu.pipeline_mode<synchronous>, transform_indices = @transform_3, window_bounds = array<i64: 10000, 3>}]} {
    %get3A = arith.constant 0 : index
    %get3A_0 = arith.constant 0 : index
    %get3A_1 = arith.constant 0 : index
    %get3A_2 = vector.load %arg1[%get3A, %get3A_0, %get3A_1] : memref<32x8x10000xf32, #tpu.memory_space<vmem>>, vector<32x8x10000xf32>
    %reduce_sum3A = arith.constant dense<0.000000e+00> : vector<8x10000xf32>
    %reduce_sum3A_3 = vector.multi_reduction <add>, %get3A_2, %reduce_sum3A [0] : vector<32x8x10000xf32> to vector<8x10000xf32>
    %slice3A = vector.extract_strided_slice %reduce_sum3A_3 {offsets = [0, 0], sizes = [3, 10000], strides = [1, 1]} : vector<8x10000xf32> to vector<3x10000xf32>
    %get3A_4 = arith.constant 0 : index
    %get3A_5 = arith.constant 0 : index
    %get3A_6 = vector.load %arg2[%get3A_4, %get3A_5] : memref<1x10000xi32, #tpu.memory_space<vmem>>, vector<1x10000xi32>
    %iota3A = tpu.iota {dimensions = array<i32: 0>} : vector<64x10000xi32>
    %eq3A = vector.broadcast %get3A_6 : vector<1x10000xi32> to vector<64x10000xi32>
    %eq3A_7 = arith.cmpi eq, %iota3A, %eq3A : vector<64x10000xi32>
    %convert_element_type3A = arith.extui %eq3A_7 : vector<64x10000xi1> to vector<64x10000xi32>
    %convert_element_type3A_8 = arith.sitofp %convert_element_type3A : vector<64x10000xi32> to vector<64x10000xf32>
    %dot_general3A = arith.constant dense<0.000000e+00> : vector<64x3xf32>
    %dot_general3A_9 = tpu.matmul %convert_element_type3A_8, %slice3A, %dot_general3A {dimension_numbers = #tpu.dot_dimension_numbers<[1], [1], [0], [0], [0, 0, 1, 0], [], []>, transpose_lhs_hint = false} : vector<64x10000xf32>, vector<3x10000xf32>, vector<64x3xf32> -> vector<64x3xf32>
    %reduce_sum3A_10 = arith.constant dense<0.000000e+00> : vector<64xf32>
    %reduce_sum3A_11 = vector.multi_reduction <add>, %convert_element_type3A_8, %reduce_sum3A_10 [1] : vector<64x10000xf32> to vector<64xf32>
    %broadcast_in_dim3A = vector.shape_cast %reduce_sum3A_11 : vector<64xf32> to vector<64x1xf32>
    %broadcast_in_dim3A_12 = arith.constant 0.000000e+00 : f32
    %broadcast_in_dim3A_13 = vector.broadcast %broadcast_in_dim3A_12 : f32 to vector<64x4xf32>
    %concatenate3A = tpu.concatenate %dot_general3A_9, %broadcast_in_dim3A, %broadcast_in_dim3A_13 in 1 : vector<64x3xf32>, vector<64x1xf32>, vector<64x4xf32> -> vector<64x8xf32>
    %swap3A = arith.constant 0 : index
    %swap3A_14 = arith.constant 0 : index
    %swap3A_15 = vector.load %arg3[%swap3A, %swap3A_14] : memref<64x8xf32, #tpu.memory_space<vmem>>, vector<64x8xf32>
    tpu.vector_store %arg3[%swap3A, %swap3A_14], %concatenate3A {strides = array<i32>} : memref<64x8xf32, #tpu.memory_space<vmem>>, vector<64x8xf32>,
    %iota3A_16 = tpu.iota {dimensions = array<i32: 0>} : vector<3x3xi32>
    %iota3A_17 = tpu.iota {dimensions = array<i32: 1>} : vector<3x3xi32>
    %eq3A_18 = arith.cmpi eq, %iota3A_16, %iota3A_17 : vector<3x3xi32>
    %convert_element_type3A_19 = arith.extui %eq3A_18 : vector<3x3xi1> to vector<3x3xi32>
    %convert_element_type3A_20 = arith.sitofp %convert_element_type3A_19 : vector<3x3xi32> to vector<3x3xf32>
    %dot_general3A_21 = arith.constant dense<0.000000e+00> : vector<10000x3xf32>
    %dot_general3A_22 = tpu.matmul %slice3A, %convert_element_type3A_20, %dot_general3A_21 {dimension_numbers = #tpu.dot_dimension_numbers<[0], [0], [1], [1], [0, 1, 1, 1], [], []>, transpose_lhs_hint = false} : vector<3x10000xf32>, vector<3x3xf32>, vector<10000x3xf32> -> vector<10000x3xf32>
    %swap3A_23 = arith.constant 0 : index
    %swap3A_24 = arith.constant 0 : index
    %swap3A_25 = vector.load %arg4[%swap3A_23, %swap3A_24] : memref<10000x3xf32, #tpu.memory_space<vmem>>, vector<10000x3xf32>
    tpu.vector_store %arg4[%swap3A_23, %swap3A_24], %dot_general3A_22 {strides = array<i32>} : memref<10000x3xf32, #tpu.memory_space<vmem>>, vector<10000x3xf32>,
    return
  }
  func.func @transform_0(%arg0: i32) -> (i32, i32, i32) {
    %c0_i32 = arith.constant 0 : i32
    %c0_i32_0 = arith.constant 0 : i32
    %c0_i32_1 = arith.constant 0 : i32
    %c0_i32_2 = arith.constant 0 : i32
    return %c0_i32, %c0_i32_0, %c0_i32_1 : i32, i32, i32
  }
  func.func @transform_1(%arg0: i32) -> (i32, i32) {
    %c0_i32 = arith.constant 0 : i32
    %c0_i32_0 = arith.constant 0 : i32
    %c0_i32_1 = arith.constant 0 : i32
    return %c0_i32, %c0_i32_0 : i32, i32
  }
  func.func @transform_2(%arg0: i32) -> (i32, i32) {
    %c0_i32 = arith.constant 0 : i32
    %c0_i32_0 = arith.constant 0 : i32
    %c0_i32_1 = arith.constant 0 : i32
    return %c0_i32, %c0_i32_0 : i32, i32
  }
  func.func @transform_3(%arg0: i32) -> (i32, i32) {
    %c0_i32 = arith.constant 0 : i32
    %c0_i32_0 = arith.constant 0 : i32
    %c0_i32_1 = arith.constant 0 : i32
    return %c0_i32, %c0_i32_0 : i32, i32
  }
}

module attributes {stable_mosaic.version = 14 : i64} {
  func.func @_post_body(%arg0: i32, %arg1: memref<64x8xf32, #tpu.memory_space<vmem>>, %arg2: memref<2000x128xf32, #tpu.memory_space<vmem>>, %arg3: memref<2000x128xf32, #tpu.memory_space<vmem>>, %arg4: memref<2000x3xf32, #tpu.memory_space<vmem>>, %arg5: memref<2000x128xf32, #tpu.memory_space<vmem>>, %arg6: memref<256x128xf32, #tpu.memory_space<vmem>>, %arg7: memref<1x128xf32, #tpu.memory_space<vmem>>, %arg8: memref<128x128xf32, #tpu.memory_space<vmem>>, %arg9: memref<1x128xf32, #tpu.memory_space<vmem>>, %arg10: memref<128x125xf32, #tpu.memory_space<vmem>>, %arg11: memref<1x125xf32, #tpu.memory_space<vmem>>, %arg12: memref<2000x1xi32, #tpu.memory_space<vmem>>, %arg13: memref<1x1x2000xi32, #tpu.memory_space<vmem>>, %arg14: memref<2000x3xf32, #tpu.memory_space<vmem>>, %arg15: memref<2000x125xf32, #tpu.memory_space<vmem>>, %arg16: memref<64x1xf32, #tpu.memory_space<vmem>>, %arg17: memref<2000x3xf32, #tpu.memory_space<vmem>>, %arg18: memref<2000x125xf32, #tpu.memory_space<vmem>>) attributes {dimension_semantics = [#tpu.dimension_semantics<arbitrary>], iteration_bounds = array<i64: 5>, scalar_prefetch = 0 : i64, scratch_operands = 0 : i64, tpu.core_type = #tpu.core_type<tc>, window_params = [{pipeline_mode = #tpu.pipeline_mode<synchronous>, transform_indices = @transform_0, window_bounds = array<i64: 64, 8>}, {transform_indices = @transform_1, window_bounds = array<i64: 2000, 128>}, {transform_indices = @transform_2, window_bounds = array<i64: 2000, 128>}, {transform_indices = @transform_3, window_bounds = array<i64: 2000, 3>}, {transform_indices = @transform_4, window_bounds = array<i64: 2000, 128>}, {pipeline_mode = #tpu.pipeline_mode<synchronous>, transform_indices = @transform_5, window_bounds = array<i64: 256, 128>}, {pipeline_mode = #tpu.pipeline_mode<synchronous>, transform_indices = @transform_6, window_bounds = array<i64: 1, 128>}, {pipeline_mode = #tpu.pipeline_mode<synchronous>, transform_indices = @transform_7, window_bounds = array<i64: 128, 128>}, {pipeline_mode = #tpu.pipeline_mode<synchronous>, transform_indices = @transform_8, window_bounds = array<i64: 1, 128>}, {pipeline_mode = #tpu.pipeline_mode<synchronous>, transform_indices = @transform_9, window_bounds = array<i64: 128, 125>}, {pipeline_mode = #tpu.pipeline_mode<synchronous>, transform_indices = @transform_10, window_bounds = array<i64: 1, 125>}, {transform_indices = @transform_11, window_bounds = array<i64: 2000, 1>}, {transform_indices = @transform_12, window_bounds = array<i64: 1, 1, 2000>}, {transform_indices = @transform_13, window_bounds = array<i64: 2000, 3>}, {transform_indices = @transform_14, window_bounds = array<i64: 2000, 125>}, {pipeline_mode = #tpu.pipeline_mode<synchronous>, transform_indices = @transform_15, window_bounds = array<i64: 64, 1>}, {transform_indices = @transform_16, window_bounds = array<i64: 2000, 3>}, {transform_indices = @transform_17, window_bounds = array<i64: 2000, 125>}]} {
    %eq3A = arith.constant 0 : i32
    %eq3A_0 = arith.cmpi eq, %arg0, %eq3A : i32
    %convert_element_type3A = arith.extui %eq3A_0 : i1 to i32
    %cond3A = arith.constant 0 : i32
    %cond3A_1 = arith.cmpi ne, %convert_element_type3A, %cond3A : i32
    scf.if %cond3A_1 {
      %broadcast_in_dim3A_105 = arith.constant 0.000000e+00 : f32
      %broadcast_in_dim3A_106 = vector.broadcast %broadcast_in_dim3A_105 : f32 to vector<64x1xf32>
      %swap3A_107 = arith.constant 0 : index
      %swap3A_108 = arith.constant 0 : index
      %swap3A_109 = vector.load %arg16[%swap3A_107, %swap3A_108] : memref<64x1xf32, #tpu.memory_space<vmem>>, vector<64x1xf32>
      tpu.vector_store %arg16[%swap3A_107, %swap3A_108], %broadcast_in_dim3A_106 {strides = array<i32>} : memref<64x1xf32, #tpu.memory_space<vmem>>, vector<64x1xf32>,
    } else {
    }
    %get3A = arith.constant 0 : index
    %get3A_2 = arith.constant 0 : index
    %get3A_3 = vector.load %arg2[%get3A, %get3A_2] : memref<2000x128xf32, #tpu.memory_space<vmem>>, vector<2000x128xf32>
    %get3A_4 = arith.constant 0 : index
    %get3A_5 = arith.constant 0 : index
    %get3A_6 = vector.load %arg3[%get3A_4, %get3A_5] : memref<2000x128xf32, #tpu.memory_space<vmem>>, vector<2000x128xf32>
    %add3A = arith.addf %get3A_3, %get3A_6 : vector<2000x128xf32>
    %get3A_7 = arith.constant 0 : index
    %get3A_8 = arith.constant 0 : index
    %get3A_9 = vector.load %arg4[%get3A_7, %get3A_8] : memref<2000x3xf32, #tpu.memory_space<vmem>>, vector<2000x3xf32>
    %get3A_10 = arith.constant 0 : index
    %get3A_11 = arith.constant 0 : index
    %get3A_12 = vector.load %arg5[%get3A_10, %get3A_11] : memref<2000x128xf32, #tpu.memory_space<vmem>>, vector<2000x128xf32>
    %get3A_13 = arith.constant 0 : index
    %get3A_14 = arith.constant 0 : index
    %get3A_15 = vector.load %arg6[%get3A_13, %get3A_14] : memref<256x128xf32, #tpu.memory_space<vmem>>, vector<256x128xf32>
    %slice3A = vector.extract_strided_slice %get3A_15 {offsets = [0, 0], sizes = [128, 128], strides = [1, 1]} : vector<256x128xf32> to vector<128x128xf32>
    %dot_general3A = arith.constant dense<0.000000e+00> : vector<2000x128xf32>
    %dot_general3A_16 = tpu.matmul %get3A_12, %slice3A, %dot_general3A {dimension_numbers = #tpu.dot_dimension_numbers<[1], [0], [0], [1], [0, 0, 1, 1], [], []>, transpose_lhs_hint = false} : vector<2000x128xf32>, vector<128x128xf32>, vector<2000x128xf32> -> vector<2000x128xf32>
    %slice3A_17 = vector.extract_strided_slice %get3A_15 {offsets = [128, 0], sizes = [128, 128], strides = [1, 1]} : vector<256x128xf32> to vector<128x128xf32>
    %dot_general3A_18 = arith.constant dense<0.000000e+00> : vector<2000x128xf32>
    %dot_general3A_19 = tpu.matmul %add3A, %slice3A_17, %dot_general3A_18 {dimension_numbers = #tpu.dot_dimension_numbers<[1], [0], [0], [1], [0, 0, 1, 1], [], []>, transpose_lhs_hint = false} : vector<2000x128xf32>, vector<128x128xf32>, vector<2000x128xf32> -> vector<2000x128xf32>
    %add3A_20 = arith.addf %dot_general3A_16, %dot_general3A_19 : vector<2000x128xf32>
    %get3A_21 = arith.constant 0 : index
    %get3A_22 = arith.constant 0 : index
    %get3A_23 = vector.load %arg7[%get3A_21, %get3A_22] : memref<1x128xf32, #tpu.memory_space<vmem>>, vector<1x128xf32>
    %add3A_24 = vector.broadcast %get3A_23 : vector<1x128xf32> to vector<2000x128xf32>
    %add3A_25 = arith.addf %add3A_20, %add3A_24 : vector<2000x128xf32>
    %max3A = arith.constant 0.000000e+00 : f32
    %max3A_26 = vector.broadcast %max3A : f32 to vector<2000x128xf32>
    %max3A_27 = arith.maximumf %add3A_25, %max3A_26 : vector<2000x128xf32>
    %get3A_28 = arith.constant 0 : index
    %get3A_29 = arith.constant 0 : index
    %get3A_30 = vector.load %arg8[%get3A_28, %get3A_29] : memref<128x128xf32, #tpu.memory_space<vmem>>, vector<128x128xf32>
    %dot_general3A_31 = arith.constant dense<0.000000e+00> : vector<2000x128xf32>
    %dot_general3A_32 = tpu.matmul %max3A_27, %get3A_30, %dot_general3A_31 {dimension_numbers = #tpu.dot_dimension_numbers<[1], [0], [0], [1], [0, 0, 1, 1], [], []>, transpose_lhs_hint = false} : vector<2000x128xf32>, vector<128x128xf32>, vector<2000x128xf32> -> vector<2000x128xf32>
    %add3A_33 = arith.addf %get3A_12, %dot_general3A_32 : vector<2000x128xf32>
    %get3A_34 = arith.constant 0 : index
    %get3A_35 = arith.constant 0 : index
    %get3A_36 = vector.load %arg9[%get3A_34, %get3A_35] : memref<1x128xf32, #tpu.memory_space<vmem>>, vector<1x128xf32>
    %add3A_37 = vector.broadcast %get3A_36 : vector<1x128xf32> to vector<2000x128xf32>
    %add3A_38 = arith.addf %add3A_33, %add3A_37 : vector<2000x128xf32>
    %get3A_39 = arith.constant 0 : index
    %get3A_40 = arith.constant 0 : index
    %get3A_41 = vector.load %arg1[%get3A_39, %get3A_40] : memref<64x8xf32, #tpu.memory_space<vmem>>, vector<64x8xf32>
    %slice3A_42 = vector.extract_strided_slice %get3A_41 {offsets = [0, 3], sizes = [64, 1], strides = [1, 1]} : vector<64x8xf32> to vector<64x1xf32>
    %max3A_43 = arith.constant 1.000000e+00 : f32
    %max3A_44 = vector.broadcast %max3A_43 : f32 to vector<64x1xf32>
    %max3A_45 = arith.maximumf %slice3A_42, %max3A_44 : vector<64x1xf32>
    %slice3A_46 = vector.extract_strided_slice %get3A_41 {offsets = [0, 0], sizes = [64, 3], strides = [1, 1]} : vector<64x8xf32> to vector<64x3xf32>
    %div3A = vector.broadcast %max3A_45 : vector<64x1xf32> to vector<64x3xf32>
    %div3A_47 = arith.divf %slice3A_46, %div3A : vector<64x3xf32>
    %get3A_48 = arith.constant 0 : index
    %get3A_49 = arith.constant 0 : index
    %get3A_50 = vector.load %arg12[%get3A_48, %get3A_49] : memref<2000x1xi32, #tpu.memory_space<vmem>>, vector<2000x1xi32>
    %iota3A = tpu.iota {dimensions = array<i32: 1>} : vector<2000x64xi32>
    %eq3A_51 = vector.broadcast %get3A_50 : vector<2000x1xi32> to vector<2000x64xi32>
    %eq3A_52 = arith.cmpi eq, %eq3A_51, %iota3A : vector<2000x64xi32>
    %convert_element_type3A_53 = arith.extui %eq3A_52 : vector<2000x64xi1> to vector<2000x64xi32>
    %convert_element_type3A_54 = arith.sitofp %convert_element_type3A_53 : vector<2000x64xi32> to vector<2000x64xf32>
    %get3A_55 = arith.constant 0 : index
    %get3A_56 = arith.constant 0 : index
    %get3A_57 = arith.constant 0 : index
    %get3A_58 = vector.load %arg13[%get3A_55, %get3A_56, %get3A_57] : memref<1x1x2000xi32, #tpu.memory_space<vmem>>, vector<1x1x2000xi32>
    %get3A_59 = vector.shape_cast %get3A_58 : vector<1x1x2000xi32> to vector<1x2000xi32>
    %iota3A_60 = tpu.iota {dimensions = array<i32: 0>} : vector<64x2000xi32>
    %eq3A_61 = vector.broadcast %get3A_59 : vector<1x2000xi32> to vector<64x2000xi32>
    %eq3A_62 = arith.cmpi eq, %iota3A_60, %eq3A_61 : vector<64x2000xi32>
    %convert_element_type3A_63 = arith.extui %eq3A_62 : vector<64x2000xi1> to vector<64x2000xi32>
    %convert_element_type3A_64 = arith.sitofp %convert_element_type3A_63 : vector<64x2000xi32> to vector<64x2000xf32>
    %dot_general3A_65 = arith.constant dense<0.000000e+00> : vector<2000x3xf32>
    %dot_general3A_66 = tpu.matmul %convert_element_type3A_54, %div3A_47, %dot_general3A_65 {dimension_numbers = #tpu.dot_dimension_numbers<[1], [0], [0], [1], [0, 0, 1, 1], [], []>, transpose_lhs_hint = false} : vector<2000x64xf32>, vector<64x3xf32>, vector<2000x3xf32> -> vector<2000x3xf32>
    %sub3A = arith.subf %get3A_9, %dot_general3A_66 : vector<2000x3xf32>
    %get3A_67 = arith.constant 0 : index
    %get3A_68 = arith.constant 0 : index
    %get3A_69 = vector.load %arg10[%get3A_67, %get3A_68] : memref<128x125xf32, #tpu.memory_space<vmem>>, vector<128x125xf32>
    %dot_general3A_70 = arith.constant dense<0.000000e+00> : vector<2000x125xf32>
    %dot_general3A_71 = tpu.matmul %add3A_38, %get3A_69, %dot_general3A_70 {dimension_numbers = #tpu.dot_dimension_numbers<[1], [0], [0], [1], [0, 0, 1, 1], [], []>, transpose_lhs_hint = false} : vector<2000x128xf32>, vector<128x125xf32>, vector<2000x125xf32> -> vector<2000x125xf32>
    %get3A_72 = arith.constant 0 : index
    %get3A_73 = arith.constant 0 : index
    %get3A_74 = vector.load %arg11[%get3A_72, %get3A_73] : memref<1x125xf32, #tpu.memory_space<vmem>>, vector<1x125xf32>
    %add3A_75 = vector.broadcast %get3A_74 : vector<1x125xf32> to vector<2000x125xf32>
    %add3A_76 = arith.addf %dot_general3A_71, %add3A_75 : vector<2000x125xf32>
    %get3A_77 = arith.constant 0 : index
    %get3A_78 = arith.constant 0 : index
    %get3A_79 = vector.load %arg14[%get3A_77, %get3A_78] : memref<2000x3xf32, #tpu.memory_space<vmem>>, vector<2000x3xf32>
    %sub3A_80 = arith.subf %get3A_79, %sub3A : vector<2000x3xf32>
    %get3A_81 = arith.constant 0 : index
    %get3A_82 = arith.constant 0 : index
    %get3A_83 = vector.load %arg15[%get3A_81, %get3A_82] : memref<2000x125xf32, #tpu.memory_space<vmem>>, vector<2000x125xf32>
    %sub3A_84 = arith.subf %get3A_83, %add3A_76 : vector<2000x125xf32>
    %mul3A = arith.mulf %sub3A_80, %sub3A_80 : vector<2000x3xf32>
    %reduce_sum3A = arith.constant dense<0.000000e+00> : vector<2000xf32>
    %reduce_sum3A_85 = vector.multi_reduction <add>, %mul3A, %reduce_sum3A [1] : vector<2000x3xf32> to vector<2000xf32>
    %broadcast_in_dim3A = vector.shape_cast %reduce_sum3A_85 : vector<2000xf32> to vector<2000x1xf32>
    %mul3A_86 = arith.mulf %sub3A_84, %sub3A_84 : vector<2000x125xf32>
    %reduce_sum3A_87 = arith.constant dense<0.000000e+00> : vector<2000xf32>
    %reduce_sum3A_88 = vector.multi_reduction <add>, %mul3A_86, %reduce_sum3A_87 [1] : vector<2000x125xf32> to vector<2000xf32>
    %broadcast_in_dim3A_89 = vector.shape_cast %reduce_sum3A_88 : vector<2000xf32> to vector<2000x1xf32>
    %add3A_90 = arith.addf %broadcast_in_dim3A, %broadcast_in_dim3A_89 : vector<2000x1xf32>
    %get3A_91 = arith.constant 0 : index
    %get3A_92 = arith.constant 0 : index
    %get3A_93 = vector.load %arg16[%get3A_91, %get3A_92] : memref<64x1xf32, #tpu.memory_space<vmem>>, vector<64x1xf32>
    %dot_general3A_94 = arith.constant dense<0.000000e+00> : vector<64x1xf32>
    %dot_general3A_95 = tpu.matmul %convert_element_type3A_64, %add3A_90, %dot_general3A_94 {dimension_numbers = #tpu.dot_dimension_numbers<[1], [0], [0], [1], [0, 0, 1, 1], [], []>, transpose_lhs_hint = false} : vector<64x2000xf32>, vector<2000x1xf32>, vector<64x1xf32> -> vector<64x1xf32>
    %add3A_96 = arith.addf %get3A_93, %dot_general3A_95 : vector<64x1xf32>
    %swap3A = arith.constant 0 : index
    %swap3A_97 = arith.constant 0 : index
    %swap3A_98 = vector.load %arg16[%swap3A, %swap3A_97] : memref<64x1xf32, #tpu.memory_space<vmem>>, vector<64x1xf32>
    tpu.vector_store %arg16[%swap3A, %swap3A_97], %add3A_96 {strides = array<i32>} : memref<64x1xf32, #tpu.memory_space<vmem>>, vector<64x1xf32>,
    %swap3A_99 = arith.constant 0 : index
    %swap3A_100 = arith.constant 0 : index
    %swap3A_101 = vector.load %arg17[%swap3A_99, %swap3A_100] : memref<2000x3xf32, #tpu.memory_space<vmem>>, vector<2000x3xf32>
    tpu.vector_store %arg17[%swap3A_99, %swap3A_100], %sub3A {strides = array<i32>} : memref<2000x3xf32, #tpu.memory_space<vmem>>, vector<2000x3xf32>,
    %swap3A_102 = arith.constant 0 : index
    %swap3A_103 = arith.constant 0 : index
    %swap3A_104 = vector.load %arg18[%swap3A_102, %swap3A_103] : memref<2000x125xf32, #tpu.memory_space<vmem>>, vector<2000x125xf32>
    tpu.vector_store %arg18[%swap3A_102, %swap3A_103], %add3A_76 {strides = array<i32>} : memref<2000x125xf32, #tpu.memory_space<vmem>>, vector<2000x125xf32>,
    return
  }
  func.func @transform_0(%arg0: i32) -> (i32, i32) {
    %c0_i32 = arith.constant 0 : i32
    %c0_i32_0 = arith.constant 0 : i32
    %c0_i32_1 = arith.constant 0 : i32
    return %c0_i32, %c0_i32_0 : i32, i32
  }
  func.func @transform_1(%arg0: i32) -> (i32, i32) {
    %c0_i32 = arith.constant 0 : i32
    %c0_i32_0 = arith.constant 0 : i32
    return %arg0, %c0_i32 : i32, i32
  }
  func.func @transform_2(%arg0: i32) -> (i32, i32) {
    %add3A = arith.constant 5 : i32
    %add3A_0 = arith.addi %arg0, %add3A : i32
    %c0_i32 = arith.constant 0 : i32
    %c0_i32_1 = arith.constant 0 : i32
    return %add3A_0, %c0_i32 : i32, i32
  }
  func.func @transform_3(%arg0: i32) -> (i32, i32) {
    %c0_i32 = arith.constant 0 : i32
    %c0_i32_0 = arith.constant 0 : i32
    return %arg0, %c0_i32 : i32, i32
  }
  func.func @transform_4(%arg0: i32) -> (i32, i32) {
    %c0_i32 = arith.constant 0 : i32
    %c0_i32_0 = arith.constant 0 : i32
    return %arg0, %c0_i32 : i32, i32
  }
  func.func @transform_5(%arg0: i32) -> (i32, i32) {
    %c0_i32 = arith.constant 0 : i32
    %c0_i32_0 = arith.constant 0 : i32
    %c0_i32_1 = arith.constant 0 : i32
    return %c0_i32, %c0_i32_0 : i32, i32
  }
  func.func @transform_6(%arg0: i32) -> (i32, i32) {
    %c0_i32 = arith.constant 0 : i32
    %c0_i32_0 = arith.constant 0 : i32
    %c0_i32_1 = arith.constant 0 : i32
    return %c0_i32, %c0_i32_0 : i32, i32
  }
  func.func @transform_7(%arg0: i32) -> (i32, i32) {
    %c0_i32 = arith.constant 0 : i32
    %c0_i32_0 = arith.constant 0 : i32
    %c0_i32_1 = arith.constant 0 : i32
    return %c0_i32, %c0_i32_0 : i32, i32
  }
  func.func @transform_8(%arg0: i32) -> (i32, i32) {
    %c0_i32 = arith.constant 0 : i32
    %c0_i32_0 = arith.constant 0 : i32
    %c0_i32_1 = arith.constant 0 : i32
    return %c0_i32, %c0_i32_0 : i32, i32
  }
  func.func @transform_9(%arg0: i32) -> (i32, i32) {
    %c0_i32 = arith.constant 0 : i32
    %c0_i32_0 = arith.constant 0 : i32
    %c0_i32_1 = arith.constant 0 : i32
    return %c0_i32, %c0_i32_0 : i32, i32
  }
  func.func @transform_10(%arg0: i32) -> (i32, i32) {
    %c0_i32 = arith.constant 0 : i32
    %c0_i32_0 = arith.constant 0 : i32
    %c0_i32_1 = arith.constant 0 : i32
    return %c0_i32, %c0_i32_0 : i32, i32
  }
  func.func @transform_11(%arg0: i32) -> (i32, i32) {
    %c0_i32 = arith.constant 0 : i32
    %c0_i32_0 = arith.constant 0 : i32
    return %arg0, %c0_i32 : i32, i32
  }
  func.func @transform_12(%arg0: i32) -> (i32, i32, i32) {
    %c0_i32 = arith.constant 0 : i32
    %c0_i32_0 = arith.constant 0 : i32
    %c0_i32_1 = arith.constant 0 : i32
    return %arg0, %c0_i32, %c0_i32_0 : i32, i32, i32
  }
  func.func @transform_13(%arg0: i32) -> (i32, i32) {
    %c0_i32 = arith.constant 0 : i32
    %c0_i32_0 = arith.constant 0 : i32
    return %arg0, %c0_i32 : i32, i32
  }
  func.func @transform_14(%arg0: i32) -> (i32, i32) {
    %c0_i32 = arith.constant 0 : i32
    %c0_i32_0 = arith.constant 0 : i32
    return %arg0, %c0_i32 : i32, i32
  }
  func.func @transform_15(%arg0: i32) -> (i32, i32) {
    %c0_i32 = arith.constant 0 : i32
    %c0_i32_0 = arith.constant 0 : i32
    %c0_i32_1 = arith.constant 0 : i32
    return %c0_i32, %c0_i32_0 : i32, i32
  }
  func.func @transform_16(%arg0: i32) -> (i32, i32) {
    %c0_i32 = arith.constant 0 : i32
    %c0_i32_0 = arith.constant 0 : i32
    return %arg0, %c0_i32 : i32, i32
  }
  func.func @transform_17(%arg0: i32) -> (i32, i32) {
    %c0_i32 = arith.constant 0 : i32
    %c0_i32_0 = arith.constant 0 : i32
    return %arg0, %c0_i32 : i32, i32
  }
}

</mosaic_0001>

<sc_bundles>
// kernel: kernel.10.cloned.1.call-start
scs
__scs_entry_jumppad:
0x0: {  	(pc) =	sbr.rel $0x88, $3  }
0x1: {  	(tag) =	ssettag $0x0;
	lr =	simm.s32 $0x1  }
0x2: {  	[smem:$0x3F8C] =	sst lr;
	_ =	strace $0xD0000000  }
0x3: {  	_ = 	snop  }
0x4: {  	_ = 	snop  }
0x5: {  	_ = 	snop  }
0x6: {  	_ = 	snop  }
0x7: {  	_ = 	snop  }
__scs_overlays_trampoline_lowered:
0x8: {  	[smem:$0x3F9B] =	sst s0  }
0x9: {  	[smem:$0x3F9C] =	sst s1  }
0xa: {  	[smem:$0x3F9D] =	sst s2  }
0xb: {  	[smem:$0x3F9E] =	sst s3  }
0xc: {  	[smem:$0x3F9F] =	sst s4  }
0xd: {  	[smem:$0x3FA0] =	sst s5  }
0xe: {  	[smem:$0x3FA1] =	sst s6  }
0xf: {  	[smem:$0x3FA2] =	sst s7  }
0x10: {  	[smem:$0x3FA3] =	sst s8  }
0x11: {  	[smem:$0x3FA4] =	sst s9;
	s0 =	simm.s32 @!p0 $0x0  }
0x12: {  	s1 =	sld [smem:$0x3F8A];
	s0 =	simm.s32 @p0 $0x1  }
0x13: {  	[smem:$0x3FA5] =	sst s0;
	s0 =	simm.s32 @!p1 $0x0  }
0x14: {  	s2 =	sld [smem:$0x3F89];
	s0 =	simm.s32 @p1 $0x1  }
0x15: {  	[smem:$0x3FA6] =	sst s0;
	s0 =	simm.s32 @!p2 $0x0  }
0x16: {  	s3 =	sld [smem:$0x3FDB];
	s0 =	simm.s32 @p2 $0x1  }
0x17: {  	s4 =	simm.s32 $0x1BF5;
	[smem:$0x3FA8] =	sst s0  }
0x18: {  	s0 =	sld [smem:$0x3F8B];
	_ =	swait.ge [sflag:s4], $0x0  }
0x19: {  	s7 =	sld [smem:$0x3F8C]  }
0x1a: {  	s8 =	sadd.s32 $0xFFFFE003, lr  }
0x1b: {  	s9 =	sadd.s32 $0xFFFFFEF7, lr;
	s5 =	simm.s32 $0xFFFFFFFF;
	p2 =	slt.u32 s8, $0xFFFFF086  }
0x1c: {  	p1 =	slt.u32 s9, $0xF7A;
	s5 =	simm.s32 @!p2 $0x0  }
0x1d: {  	s5 =	simm.s32 @p1 $0x1;
	p0 =	seq.s32 s7, s2  }
0x1e: {  	s7 =	smul.u32 @!p0 $0xF7A, s2;
	p2 =	seq.s32 @!p0 s5, $0x0  }
0x1f: {  	s9 =	smul.u32 $0xF7A, s1;
	s8 =	simm.s32 @!p0 $0x1BF5;
	p2 =	por !p2, p0  }
0x20: {  	[sflag:s8] =	ssyncset.s32 @!p0 $0xFFFFF086;
	s6 =	sadd.s32 @!p0 s3, s7;
	s7 =	simm.s32 @!p0 $0x108  }
0x21: {  	s3 =	sadd.s32 s3, s9;
	s6 =	sadd.s32 @!p0 $0x88, s6;
	s7 =	simm.s32 @p2 $0x1082  }
0x22: {  	[simem:s7], [sflag:s8] =	dma.local @!p0 [hbm:s6], $0xF7A  }
0x23: {  	s9 =	sor.u32 $0xD0000000, s2;
	s6 =	simm.s32 $0x108;
	_ =	swait.ge @!p0 [sflag:s8], $0x0  }
0x24: {  	s3 =	sadd.s32 $0x88, s3;
	s6 =	simm.s32 @!p1 $0x1082;
	[sflag:s4] =	ssyncset.s32 $0xFFFFF086  }
0x25: {  	[simem:s6], [sflag:s4] =	dma.local [hbm:s3], $0xF7A  }
0x26: {  	[smem:$0x3F8C] =	sst s1;
	(tag) =	ssettag s2;
	_ =	strace s9  }
0x27: {  	s1 =	sld [smem:$0x3F9C]  }
0x28: {  	s2 =	sld [smem:$0x3F9D]  }
0x29: {  	s4 =	sld [smem:$0x3F9F]  }
0x2a: {  	p0 =	seq.s32 s5, $0x0;
	s5 =	sld [smem:$0x3FA0]  }
0x2b: {  	s6 =	sld [smem:$0x3FA1]  }
0x2c: {  	s7 =	sld [smem:$0x3FA2]  }
0x2d: {  	s3 =	simm.s32 $0x108;
	s8 =	sld [smem:$0x3FA3]  }
0x2e: {  	s3 =	simm.s32 @!p0 $0x1082;
	s9 =	sld [smem:$0x3FA4]  }
0x2f: {  	lr =	sadd.s32 s0, s3;
	s0 =	sld [smem:$0x3F9B]  }
0x30: {  	s3 =	sld [smem:$0x3F9E]  }
0x31: {  	[smem:$0x3FA7] =	sst s10  }
0x32: {  	s10 =	sld [smem:$0x3FA5];
	_ =	sdelay $0x3  }
0x33: {  	p0 =	seq.s32 s10, $0x1;
	s10 =	sld [smem:$0x3FA7];
	_ =	sdelay $0x3  }
0x34: {  	[smem:$0x3FA7] =	sst s10  }
0x35: {  	s10 =	sld [smem:$0x3FA6];
	_ =	sdelay $0x3  }
0x36: {  	p1 =	seq.s32 s10, $0x1;
	s10 =	sld [smem:$0x3FA7];
	_ =	sdelay $0x3  }
0x37: {  	[smem:$0x3FA7] =	sst s10  }
0x38: {  	s10 =	sld [smem:$0x3FA8]  }
0x39: {  	_ = 	snop;
	(pc) =	sbr.ind lr, $3  }
0x3a: {  	_ = 	snop  }
0x3b: {  	_ = 	snop  }
0x3c: {  	p2 =	seq.s32 s10, $0x1;
	s10 =	sld [smem:$0x3FA7]  }
0x3d: {  	_ =	shalt  }
0x3e: {  	_ =	shalt  }
0x3f: {  	_ =	shalt  }
0x40: {  	_ =	shalt  }
0x41: {  	_ =	shalt  }
0x42: {  	_ =	shalt  }
0x43: {  	_ =	shalt  }
0x44: {  	_ =	shalt  }
0x45: {  	_ =	shalt  }
0x46: {  	_ =	shalt  }
0x47: {  	_ =	shalt  }
0x48: {  	_ =	shalt  }
0x49: {  	_ =	shalt  }
0x4a: {  	_ =	shalt  }
0x4b: {  	_ =	shalt  }
0x4c: {  	_ =	shalt  }
0x4d: {  	_ =	shalt  }
0x4e: {  	_ =	shalt  }
0x4f: {  	_ =	shalt  }
0x50: {  	_ =	shalt  }
0x51: {  	_ =	shalt  }
0x52: {  	_ =	shalt  }
0x53: {  	_ =	shalt  }
0x54: {  	_ =	shalt  }
0x55: {  	_ =	shalt  }
0x56: {  	_ =	shalt  }
0x57: {  	_ =	shalt  }
0x58: {  	_ =	shalt  }
0x59: {  	_ =	shalt  }
0x5a: {  	_ =	shalt  }
0x5b: {  	_ =	shalt  }
0x5c: {  	_ =	shalt  }
0x5d: {  	_ =	shalt  }
0x5e: {  	_ =	shalt  }
0x5f: {  	_ =	shalt  }
0x60: {  	_ =	shalt  }
0x61: {  	_ =	shalt  }
0x62: {  	_ =	shalt  }
0x63: {  	_ =	shalt  }
0x64: {  	_ =	shalt  }
0x65: {  	_ =	shalt  }
0x66: {  	_ =	shalt  }
0x67: {  	_ =	shalt  }
0x68: {  	_ =	shalt  }
0x69: {  	_ =	shalt  }
0x6a: {  	_ =	shalt  }
0x6b: {  	_ =	shalt  }
0x6c: {  	_ =	shalt  }
0x6d: {  	_ =	shalt  }
0x6e: {  	_ =	shalt  }
0x6f: {  	_ =	shalt  }
0x70: {  	_ =	shalt  }
0x71: {  	_ =	shalt  }
0x72: {  	_ =	shalt  }
0x73: {  	_ =	shalt  }
0x74: {  	_ =	shalt  }
0x75: {  	_ =	shalt  }
0x76: {  	_ =	shalt  }
0x77: {  	_ =	shalt  }
0x78: {  	_ =	shalt  }
0x79: {  	_ =	shalt  }
0x7a: {  	_ =	shalt  }
0x7b: {  	_ =	shalt  }
0x7c: {  	_ =	shalt  }
0x7d: {  	_ =	shalt  }
0x7e: {  	_ =	shalt  }
0x7f: {  	_ =	shalt  }
0x80: {  	_ =	shalt  }
0x81: {  	_ =	shalt  }
0x82: {  	_ =	shalt  }
0x83: {  	_ =	shalt  }
0x84: {  	_ =	shalt  }
0x85: {  	_ =	shalt  }
0x86: {  	_ =	shalt  }
0x87: {  	_ =	shalt  }
.Lfunc_end0:
.L_simem_size_0:
called_computation_lowered:
.L_overlay_start_0:
0x88: {  	s2 =	sld [smem:$0x3FD9]  }
0x89: {  	s3 =	sld [smem:$0x3FFE];
	_ =	sdelay $0x1  }
0x8a: {  	s1 =	srdreg.scid  }
0x8b: {  	s0 =	sand.u32 $0x1, s1  }
0x8c: {  	s14 =	sshll.u32 s0, $0xA;
	s2 =	sadd.s32 s3, s2  }
0x8d: {  	s2 =	sadd.s32 s2, s14  }
0x8e: {  	[smem:$0x3FB3] =	sst s2  }
0x8f: {  	_ = 	snop  }
0x90: {  	s2 =	sld [smem:$0x3FD0];
	_ =	sdelay $0x2  }
0x91: {  	s15 =	simm.s32 $0xB;
	s4 =	simm.s32 $0x10  }
0x92: {  	[smem:s4], [sflag:s15] =	dma.local [hbm:s2], $0x1  }
0x93: {  	_ =	swait.eq [sflag:s15], $0x1  }
0x94: {  	[sflag:s15] =	ssyncset.done $0x0  }
0x95: {  	[sflag:s15] =	ssyncadd.s32 $0xFFFFFFFF  }
0x96: {  	s16 =	sld [smem:$0x13];
	(tm) =	ssettm $0x1  }
0x97: {  	s17 =	sld [smem:$0x3FFB];
	_ =	sdelay $0x3  }
0x98: {  	_ =	strace s17  }
0x99: {  	s3 =	sld [smem:$0x3FFC];
	_ =	sdelay $0x3  }
0x9a: {  	_ =	strace s3  }
0x9b: {  	s3 =	sld [smem:$0x3FFD];
	_ =	sdelay $0x3  }
0x9c: {  	_ =	strace s3  }
0x9d: {  	_ =	strace $0x8FFFFFFF  }
0x9e: {  	s18 =	sld [smem:$0x3FDB];
	_ =	sdelay $0x1  }
0x9f: {  	s19 =	simm.s32 $_scs_section_size  }
0xa0: {  	s5 =	simm.s32 $_size__tile_overlayer_lowered;
	s6 =	simm.s32 $_tile_overlayer_lowered  }
0xa1: {  	s22 =	simm.s32 $0x1BFF;
	s21 =	sshll.u32 s6, $0x1;
	s3 =	sadd.s32 s19, s18  }
0xa2: {  	s7 =	simm.s32 $0x0;
	s20 =	sshll.u32 s5, $0x1;
	s5 =	sadd.s32 s21, s3  }
0xa3: {  	[timem:s7], [sflag:s22] =	dma.local [hbm:s5], s20  }
0xa4: {  	_ =	swait.ge [sflag:s22], s20  }
0xa5: {  	s4 =	ssub.s32 $0x0, s20;
	[sflag:s22] =	ssyncset.done $0x0  }
0xa6: {  	[sflag:s22] =	ssyncadd.s32 s4;
	_ =	sdelay $0x1  }
0xa7: {  	s23 =	simm.s32 $0x1B8B  }
0xa8: {  	_ =	swait.ge [sflag:s23], $0x1  }
0xa9: {  	[sflag:s23] =	ssyncset.done $0x0  }
0xaa: {  	s25 =	simm.s32 $0x1B8E;
	s24 =	sld [smem:$0x3FFE];
	[sflag:s23] =	ssyncadd.s32 $0xFFFFFFFF  }
0xab: {  	s26 =	simm.s32 $execute0_lowered;
	[smem:$0x3FD2] =	sst s25  }
0xac: {  	s5 =	sshll.u32 s26, $0x1;
	_ =	strace $0x80000046;
	[dreg:$0x1] =	wrdreg $0xFFFFFFFF  }
0xad: {  	s28 =	simm.s32 $_size_execute0_lowered;
	s3 =	sadd.s32 s3, s5;
	[dreg:$0x0] =	wrdreg $0x0  }
0xae: {  	s5 =	sshll.u32 s28, $0x1;
	[dreg:$0x2] =	wrdreg s3  }
0xaf: {  	[dreg:$0x3] =	wrdreg s5  }
0xb0: {  	[dreg:$0x4] =	wrdreg $0xC0  }
0xb1: {  	_ =	task [dreg:s7], $0x5FFFF  }
0xb2: {  	[dreg:$0x1] =	wrdreg $0xFFFFFFFF  }
0xb3: {  	[dreg:$0x0] =	wrdreg $0x60  }
0xb4: {  	[dreg:$0x2] =	wrdreg s16  }
0xb5: {  	[dreg:$0x3] =	wrdreg s24  }
0xb6: {  	[dreg:$0x4] =	wrdreg $0x9  }
0xb7: {  	_ =	task.clear_ibuf [dreg:s7], $0x5FFFF;
	_ =	strace $0x90000046  }
0xb8: {  	s29 =	simm.s32 $0x9;
	_ =	strace $0x80000048  }
0xb9: {  	_ =	swait.ge [sflag:s29], $0x1  }
0xba: {  	[sflag:s29] =	ssyncadd.s32 $0xFFFFFFFF  }
0xbb: {  	_ =	strace $0x90000048  }
0xbc: {  	_ =	sfence  }
0xbd: {  	s30 =	sld [smem:$0x0];
	_ =	sdelay $0x2  }
0xbe: {  	s31 =	sshll.u32 s1, $0xD;
	s1 =	sshrl.u32 s1, $0x2  }
0xbf: {  	s3 =	sand.u32 $0x4000, s31;
	s1 =	sadd.s32 s1, s30  }
0xc0: {  	s0 =	sor.u32 s3, s0;
	s1 =	sshll.u32 s1, $0x11  }
0xc1: {  	s0 =	sor.u32 s1, s0  }
0xc2: {  	s0 =	sadd.s32 $0x8F2B, s0  }
0xc3: {  	[sflag:s0] =	ssyncadd.remote.s32 $0x1  }
0xc4: {  	_ =	sfence.sel $0xFFFF  }
0xc5: {  	[dreg:$0x0] =	wrdreg $0xFFFFFFFF;
	(pc) =	sbr.abs _section_cstart, $3  }
0xc6: {  	[dreg:$0x1] =	wrdreg $0xFFFFFFFF  }
0xc7: {  	_ =	task.clear_ibuf [dreg:s7], $0x2FFFF;
	_ =	strace $0x9FFFFFFF  }
0xc8: {  	(tm) =	ssettm $0x7FFFFFFF  }
0xc9: {  	_ =	shalt  }
tec
execute0_lowered:
.L_overlay_start_1:
0x0: {  	(tag) =	ssettag $0x1  }
0x1: {  	s0 =	rddreg [dreg:$0x0]  }
0x2: {  	s22 =	rddreg [dreg:$0x1];
	s1 =	simm.s32 $0x0;
	s4 =	srdreg.scid  }
0x3: {  	s2 =	stileid.u32;
	s14 =	simm.s32 $0x5100;
	s15 =	simm.s32 $0x3  }
0x4: {  	s16 =	simm.s32 $0x7880;
	s17 =	simm.s32 $0xA000;
	s18 =	simm.s32 $0x80  }
0x5: {  	s19 =	simm.s32 $0x50;
	s20 =	simm.s32 $0x100;
	s21 =	simm.s32 $0x2900  }
0x6: {  	s28 =	simm.s32 $0xC900;
	s29 =	simm.s32 $0x0;
	[dreg:$0x3] =	wrdreg s0  }
0x7: {  	[smem:$0x7FF] =	sst s1;
	s3 =	sadd.s32 $0x53000, s22;
	s6 =	sand.u32 $0x1, s4  }
0x8: {  	s7 =	smul.u32 $0x4E20, s2;
	s23 =	sadd.s32 $0xA2000, s22;
	s4 =	sadd.s32 $0xA1A00, s22  }
0x9: {  	s9 =	smul.u32 $0x4E200, s2;
	_ =	strace $0x80000047;
	[dreg:$0x4] =	wrdreg s3  }
0xa: {  	s5 =	sadd.s32 $0xA1400, s22;
	[dreg:$0x6] =	wrdreg s23;
	s8 =	smul.u32 $0x2710, s6  }
0xb: {  	s10 =	ssub.s32 $0x2, s6;
	s11 =	smul.u32 $0x27100, s6;
	s23 =	simm.s32 $0x2  }
0xc: {  	s24 =	sshrl.u32 s10, $0x1;
	s26 =	sadd.s32 s9, s22;
	s7 =	sadd.s32 s8, s7  }
0xd: {  	s8 =	ssub.s32 s10, s24;
	s30 =	sadd.s32 s11, s26;
	s24 =	simm.s32 $0xC780  }
0xe: {  	s26 =	simm.s32 $0xC880;
	s25 =	sshrl.u32 s7, $0x3;
	s6 =	smax.u32 s8, $0x1  }
0xf: {  	s7 =	sadd.s32 $0xC0000, s30;
	s8 =	sadd.s32 $0x5A2000, s30;
	s0 =	sadd.s32 s25, s22  }
0x10: {  	s22 =	simm.s32 $0x1;
	s25 =	simm.s32 $0xC800;
	s31 =	sadd.s32 $0xB6200, s0  }
0x11: {  	s9 =	sadd.s32 $0xAC400, s0;
	s10 =	sadd.s32 $0xA2600, s0;
	s11 =	sadd.s32 $0x18800, s0  }
0x12: {  	s12 =	sadd.s32 $0xEA00, s0;
	s13 =	sadd.s32 $0x4C00, s0;
	[dreg:$0x5] =	wrdreg s31  }
.LBB2_1:
0x13: {  	s0 =	rddreg [dreg:$0x6]  }
0x14: {  	[tilespmem:s14], [sflag:$0x3] =	stream.linear.gather [hbm4b:s0+s1], $0x2780, $0x38;
	[tilespmem:$0xC980] =	vst v63  }
0x15: {  	_ =	swait.ge [sflag:s15], $0x2780  }
0x16: {  	[sflag:s15] =	ssyncset.done $0x0  }
0x17: {  	[sflag:s15] =	ssyncadd.s32 $0xFFFFD880  }
0x18: {  	[tilespmem:s16], [sflag:$0x3] =	stream.linear.gather [hbm4b:s4+s1], $0x2780, $0x38;
	[tilespmem:$0xC980] =	vst v63  }
0x19: {  	_ =	swait.ge [sflag:s15], $0x2780  }
0x1a: {  	[sflag:s15] =	ssyncset.done $0x0  }
0x1b: {  	[sflag:s15] =	ssyncadd.s32 $0xFFFFD880  }
0x1c: {  	[tilespmem:s17], [sflag:$0x3] =	stream.linear.gather [hbm4b:s5+s1], $0x2780, $0x38;
	[tilespmem:$0xC980] =	vst v63  }
0x1d: {  	_ =	swait.ge [sflag:s15], $0x2780  }
0x1e: {  	s30 =	smov.u32 s8;
	[sflag:s15] =	ssyncset.done $0x0  }
0x1f: {  	s31 =	smov.u32 s7;
	s0 =	simm.s32 $0x0;
	[sflag:s15] =	ssyncadd.s32 $0xFFFFD880  }
.LBB2_2:
0x20: {  	s2 =	sadd.s32 s0, s13  }
0x21: {  	[tilespmem:s1], [sflag:$0x3] =	stream.linear.gather [hbm4b:s2+s1], $0x50, $0x38;
	[tilespmem:$0xC980] =	vst v63  }
0x22: {  	_ =	swait.ge [sflag:s15], $0x50  }
0x23: {  	[sflag:s15] =	ssyncset.done $0x0  }
0x24: {  	s3 =	sadd.s32 s0, s12;
	[sflag:s15] =	ssyncadd.s32 $0xFFFFFFB0  }
0x25: {  	[tilespmem:s18], [sflag:$0x3] =	stream.linear.gather [hbm4b:s3+s1], $0x50, $0x38;
	[tilespmem:$0xC980] =	vst v63  }
0x26: {  	_ =	swait.ge [sflag:s15], $0x50  }
0x27: {  	[sflag:s15] =	ssyncset.done $0x0  }
0x28: {  	s2 =	rddreg [dreg:$0x3];
	[sflag:s15] =	ssyncadd.s32 $0xFFFFFFB0  }
0x29: {  	[tilespmem:s20], [sflag:$0x1] =	stream.indirect.gather [hbm4b:s2+s19], $0x80, s1, s19, $0xb8;
	[tilespmem:$0xC980] =	vst v63  }
0x2a: {  	s3 =	rddreg [dreg:$0x4]  }
0x2b: {  	[tilespmem:s21], [sflag:$0x2] =	stream.indirect.gather [hbm4b:s3+s19], $0x80, s18, s19, $0xb8;
	[tilespmem:$0xC980] =	vst v63  }
0x2c: {  	v0 =	vld [tilespmem:$0x0]  }
0x2d: {  	v1 =	vld [tilespmem:$0x80];
	_ =	sdelay $0x6  }
0x2e: {  	v2 =	vld.idx.msk [tilespmem:v0+s14+$0x0], $0xffff  }
0x2f: {  	v3 =	vld.idx.msk [tilespmem:v1+s14+$0x0], $0xffff  }
0x30: {  	v4 =	vld.idx.msk [tilespmem:v0+s16+$0x0], $0xffff  }
0x31: {  	v5 =	vld.idx.msk [tilespmem:v1+s16+$0x0], $0xffff  }
0x32: {  	v0 =	vld.idx.msk [tilespmem:v0+s17+$0x0], $0xffff  }
0x33: {  	v1 =	vld.idx.msk [tilespmem:v1+s17+$0x0], $0xffff;
	_ =	sdelay $0x2  }
0x34: {  	v2 =	vsub.f32 v2, v3;
	v27 =	vsub.f32 v4, v5  }
0x35: {  	v28 =	vld [tilespmem:$0x10]  }
0x36: {  	v6 =	vld [tilespmem:$0x90];
	v0 =	vsub.f32 v0, v1;
	v29 =	vmul.f32 v2, v2;
	v5 =	vmul.f32 v27, v27;
	_ =	sdelay $0x1  }
0x37: {  	v30 =	vmul.f32 v0, v0;
	v1 =	vadd.f32 v5, v29  }
0x38: {  	[tilespmem:$0xC780] =	vst v2  }
0x39: {  	[tilespmem:$0xC800] =	vst v27;
	v1 =	vadd.f32 v30, v1  }
0x3a: {  	[tilespmem:$0xC880] =	vst v0  }
0x3b: {  	[tilespmem:$0xC900] =	vst v1  }
0x3c: {  	v0 =	vld.idx.msk [tilespmem:v28+s14+$0x0], $0xffff  }
0x3d: {  	v1 =	vld.idx.msk [tilespmem:v6+s14+$0x0], $0xffff  }
0x3e: {  	v2 =	vld.idx.msk [tilespmem:v28+s16+$0x0], $0xffff  }
0x3f: {  	v3 =	vld.idx.msk [tilespmem:v6+s16+$0x0], $0xffff  }
0x40: {  	v4 =	vld.idx.msk [tilespmem:v28+s17+$0x0], $0xffff  }
0x41: {  	v31 =	vld.idx.msk [tilespmem:v6+s17+$0x0], $0xffff;
	_ =	sdelay $0x2  }
0x42: {  	v0 =	vsub.f32 v0, v1;
	v32 =	vsub.f32 v2, v3  }
0x43: {  	v33 =	vld [tilespmem:$0x20]  }
0x44: {  	v37 =	vld [tilespmem:$0xA0];
	v34 =	vsub.f32 v4, v31;
	v35 =	vmul.f32 v0, v0;
	v36 =	vmul.f32 v32, v32;
	_ =	sdelay $0x1  }
0x45: {  	v38 =	vmul.f32 v34, v34;
	v4 =	vadd.f32 v36, v35  }
0x46: {  	[tilespmem:$0xC790] =	vst v0  }
0x47: {  	[tilespmem:$0xC810] =	vst v32;
	v39 =	vadd.f32 v38, v4  }
0x48: {  	[tilespmem:$0xC890] =	vst v34  }
0x49: {  	[tilespmem:$0xC910] =	vst v39  }
0x4a: {  	v0 =	vld.idx.msk [tilespmem:v33+s14+$0x0], $0xffff  }
0x4b: {  	v1 =	vld.idx.msk [tilespmem:v37+s14+$0x0], $0xffff  }
0x4c: {  	v3 =	vld.idx.msk [tilespmem:v33+s16+$0x0], $0xffff  }
0x4d: {  	v40 =	vld.idx.msk [tilespmem:v37+s16+$0x0], $0xffff  }
0x4e: {  	v2 =	vld.idx.msk [tilespmem:v33+s17+$0x0], $0xffff  }
0x4f: {  	v41 =	vld.idx.msk [tilespmem:v37+s17+$0x0], $0xffff;
	_ =	sdelay $0x2  }
0x50: {  	v0 =	vsub.f32 v0, v1;
	v42 =	vsub.f32 v3, v40  }
0x51: {  	v43 =	vld [tilespmem:$0x30]  }
0x52: {  	v46 =	vld [tilespmem:$0xB0];
	v2 =	vsub.f32 v2, v41;
	v44 =	vmul.f32 v0, v0;
	v45 =	vmul.f32 v42, v42;
	_ =	sdelay $0x1  }
0x53: {  	v47 =	vmul.f32 v2, v2;
	v4 =	vadd.f32 v45, v44  }
0x54: {  	[tilespmem:$0xC7A0] =	vst v0  }
0x55: {  	[tilespmem:$0xC820] =	vst v42;
	v48 =	vadd.f32 v47, v4  }
0x56: {  	[tilespmem:$0xC8A0] =	vst v2  }
0x57: {  	[tilespmem:$0xC920] =	vst v48  }
0x58: {  	v0 =	vld.idx.msk [tilespmem:v43+s14+$0x0], $0xffff  }
0x59: {  	v1 =	vld.idx.msk [tilespmem:v46+s14+$0x0], $0xffff  }
0x5a: {  	v2 =	vld.idx.msk [tilespmem:v43+s16+$0x0], $0xffff  }
0x5b: {  	v49 =	vld.idx.msk [tilespmem:v46+s16+$0x0], $0xffff  }
0x5c: {  	v3 =	vld.idx.msk [tilespmem:v43+s17+$0x0], $0xffff  }
0x5d: {  	v50 =	vld.idx.msk [tilespmem:v46+s17+$0x0], $0xffff;
	_ =	sdelay $0x2  }
0x5e: {  	v0 =	vsub.f32 v0, v1;
	v51 =	vsub.f32 v2, v49  }
0x5f: {  	v52 =	vld [tilespmem:$0x40]  }
0x60: {  	v55 =	vld [tilespmem:$0xC0];
	v3 =	vsub.f32 v3, v50;
	v53 =	vmul.f32 v0, v0;
	v54 =	vmul.f32 v51, v51;
	_ =	sdelay $0x1  }
0x61: {  	v56 =	vmul.f32 v3, v3;
	v4 =	vadd.f32 v54, v53  }
0x62: {  	[tilespmem:$0xC7B0] =	vst v0  }
0x63: {  	[tilespmem:$0xC830] =	vst v51;
	v57 =	vadd.f32 v56, v4  }
0x64: {  	[tilespmem:$0xC8B0] =	vst v3  }
0x65: {  	[tilespmem:$0xC930] =	vst v57  }
0x66: {  	v0 =	vld.idx.msk [tilespmem:v52+s14+$0x0], $0xffff  }
0x67: {  	v1 =	vld.idx.msk [tilespmem:v55+s14+$0x0], $0xffff  }
0x68: {  	v3 =	vld.idx.msk [tilespmem:v52+s16+$0x0], $0xffff  }
0x69: {  	v58 =	vld.idx.msk [tilespmem:v55+s16+$0x0], $0xffff  }
0x6a: {  	v2 =	vld.idx.msk [tilespmem:v52+s17+$0x0], $0xffff  }
0x6b: {  	v59 =	vld.idx.msk [tilespmem:v55+s17+$0x0], $0xffff;
	_ =	sdelay $0x2  }
0x6c: {  	v0 =	vsub.f32 v0, v1;
	v60 =	vsub.f32 v3, v58;
	_ =	sdelay $0x1  }
0x6d: {  	v2 =	vsub.f32 v2, v59;
	v61 =	vmul.f32 v0, v0;
	v4 =	vmul.f32 v60, v60;
	_ =	sdelay $0x1  }
0x6e: {  	v62 =	vmul.f32 v2, v2;
	v3 =	vadd.f32 v4, v61  }
0x6f: {  	[tilespmem:$0xC7C0] =	vst v0  }
0x70: {  	[tilespmem:$0xC840] =	vst v60;
	v63 =	vadd.f32 v62, v3  }
0x71: {  	[tilespmem:$0xC8C0] =	vst v2  }
0x72: {  	[tilespmem:$0xC940] =	vst v63  }
0x73: {  	_ =	swait.ge [sflag:s22], $0x2800  }
0x74: {  	[sflag:s22] =	ssyncset.done $0x0  }
0x75: {  	[sflag:s22] =	ssyncadd.s32 $0xFFFFD800  }
0x76: {  	_ =	swait.ge [sflag:s23], $0x2800  }
0x77: {  	[sflag:s23] =	ssyncset.done $0x0  }
0x78: {  	[sflag:s23] =	ssyncadd.s32 $0xFFFFD800  }
0x79: {  	[hbm4b:s31+s1] =	stream.linear.scatter [tilespmem:s20], [sflag:$0x3], $0x2800, $0x38;
	[tilespmem:$0xC980] =	vst v63  }
0x7a: {  	_ =	swait.ge [sflag:s15], $0x2800  }
0x7b: {  	[sflag:s15] =	ssyncset.done $0x0  }
0x7c: {  	[sflag:s15] =	ssyncadd.s32 $0xFFFFD800  }
0x7d: {  	[hbm4b:s30+s1] =	stream.linear.scatter [tilespmem:s21], [sflag:$0x3], $0x2800, $0x38;
	[tilespmem:$0xC980] =	vst v63  }
0x7e: {  	_ =	swait.ge [sflag:s15], $0x2800  }
0x7f: {  	[sflag:s15] =	ssyncset.done $0x0  }
0x80: {  	s3 =	sadd.s32 s0, s11;
	[sflag:s15] =	ssyncadd.s32 $0xFFFFD800  }
0x81: {  	[hbm4b:s3+s1] =	stream.linear.scatter [tilespmem:s24], [sflag:$0x3], $0x50, $0x38;
	[tilespmem:$0xC980] =	vst v63  }
0x82: {  	_ =	swait.ge [sflag:s15], $0x50  }
0x83: {  	[sflag:s15] =	ssyncset.done $0x0  }
0x84: {  	s3 =	sadd.s32 s0, s10;
	[sflag:s15] =	ssyncadd.s32 $0xFFFFFFB0  }
0x85: {  	[hbm4b:s3+s1] =	stream.linear.scatter [tilespmem:s25], [sflag:$0x3], $0x50, $0x38;
	[tilespmem:$0xC980] =	vst v63  }
0x86: {  	_ =	swait.ge [sflag:s15], $0x50  }
0x87: {  	[sflag:s15] =	ssyncset.done $0x0  }
0x88: {  	s3 =	sadd.s32 s0, s9;
	[sflag:s15] =	ssyncadd.s32 $0xFFFFFFB0  }
0x89: {  	[hbm4b:s3+s1] =	stream.linear.scatter [tilespmem:s26], [sflag:$0x3], $0x50, $0x38;
	[tilespmem:$0xC980] =	vst v63  }
0x8a: {  	_ =	swait.ge [sflag:s15], $0x50  }
0x8b: {  	p0 =	sne.s32 s0, $0x4D8;
	s3 =	rddreg [dreg:$0x5];
	[sflag:s15] =	ssyncset.done $0x0  }
.Ltmp0:
0x8c: {  	[sflag:s15] =	ssyncadd.s32 $0xFFFFFFB0;
	s2 =	sadd.s32 s0, s3;
	(pc) =	sbr.rel @p0 .LBB2_2-.Ltmp0, $4  }
0x8d: {  	[hbm4b:s2+s1] =	stream.linear.scatter [tilespmem:s28], [sflag:$0x3], $0x50, $0x38;
	[tilespmem:$0xC980] =	vst v63  }
0x8e: {  	_ =	swait.ge [sflag:s15], $0x50  }
0x8f: {  	s31 =	sadd.s32 $0x500, s31;
	[sflag:s15] =	ssyncset.done $0x0  }
0x90: {  	s30 =	sadd.s32 $0x500, s30;
	s0 =	sadd.s32 $0xA, s0;
	[sflag:s15] =	ssyncadd.s32 $0xFFFFFFB0  }
0x91: {  	s29 =	sadd.s32 $0x1, s29  }
0x92: {  	p0 =	sne.s32 s29, s6  }
.Ltmp1:
0x93: {  	_ = 	snop;
	(pc) =	sbr.rel @p0 .LBB2_1-.Ltmp1, $1  }
0x94: {  	_ =	sdelay $0x3  }
0x95: {  	_ =	sfence.sel $0x180000  }
0x96: {  	[bflag:$0x0] =	sbarrier.arrive $0xFFFF  }
0x97: {  	_ =	strace $0x90000047  }
0x98: {  	s0 =	stileid.u32;
	[bflag:$0x2] =	sbarrier.arrive $0xFFFF  }
0x99: {  	p0 =	sne.s32 s0, $0x0;
	s0 =	rddreg [dreg:$0x2]  }
0x9a: {  	s0 =	sadd.s32 @!p0 $0x100000, s0  }
0x9b: {  	[sflag:s0] =	ssyncadd.tile.s32 @!p0 $0x1;
	_ =	shalt  }
.Lfunc_end2:
_tile_overlayer_lowered:
.L_overlay_start_2:
0x9c: {  	(tag) =	ssettag $0x2  }
0x9d: {  	s0 =	rddreg [dreg:$0x0];
	s2 =	stileid.u32  }
0x9e: {  	s1 =	rddreg [dreg:$0x1];
	p0 =	sne.s32 s2, $0x0  }
0x9f: {  	s3 =	rddreg [dreg:$0x2];
	[bflag:$0x3] =	sbarrier.arrive $0xFFFF;
	s2 =	simm.s32 @!p0 $0x1C03  }
0xa0: {  	[timem:s3], [sflag:s2] =	dma.local @!p0 [hbm:s0], s1  }
0xa1: {  	s0 =	simm.s32 @!p0 $0x3  }
0xa2: {  	_ =	swait.ge @!p0 [sflag:s0], s1  }
0xa3: {  	s1 =	ssub.s32 @!p0 $0x0, s1;
	[sflag:s0] =	ssyncset.done @!p0 $0x0  }
0xa4: {  	[sflag:s0] =	ssyncadd.s32 @!p0 s1  }
0xa5: {  	[bflag:$0x3] =	sbarrier.arrive $0xFFFF  }
0xa6: {  	_ =	shalt  }

// kernel: kernel.13.cloned.1.call-start
scs
__scs_entry_jumppad:
0x0: {  	(pc) =	sbr.rel $0x88, $3  }
0x1: {  	(tag) =	ssettag $0x0;
	lr =	simm.s32 $0x1  }
0x2: {  	[smem:$0x3F8C] =	sst lr;
	_ =	strace $0xD0000000  }
0x3: {  	_ = 	snop  }
0x4: {  	_ = 	snop  }
0x5: {  	_ = 	snop  }
0x6: {  	_ = 	snop  }
0x7: {  	_ = 	snop  }
__scs_overlays_trampoline_lowered:
0x8: {  	[smem:$0x3F9B] =	sst s0  }
0x9: {  	[smem:$0x3F9C] =	sst s1  }
0xa: {  	[smem:$0x3F9D] =	sst s2  }
0xb: {  	[smem:$0x3F9E] =	sst s3  }
0xc: {  	[smem:$0x3F9F] =	sst s4  }
0xd: {  	[smem:$0x3FA0] =	sst s5  }
0xe: {  	[smem:$0x3FA1] =	sst s6  }
0xf: {  	[smem:$0x3FA2] =	sst s7  }
0x10: {  	[smem:$0x3FA3] =	sst s8  }
0x11: {  	[smem:$0x3FA4] =	sst s9;
	s0 =	simm.s32 @!p0 $0x0  }
0x12: {  	s1 =	sld [smem:$0x3F8A];
	s0 =	simm.s32 @p0 $0x1  }
0x13: {  	[smem:$0x3FA5] =	sst s0;
	s0 =	simm.s32 @!p1 $0x0  }
0x14: {  	s2 =	sld [smem:$0x3F89];
	s0 =	simm.s32 @p1 $0x1  }
0x15: {  	[smem:$0x3FA6] =	sst s0;
	s0 =	simm.s32 @!p2 $0x0  }
0x16: {  	s3 =	sld [smem:$0x3FDB];
	s0 =	simm.s32 @p2 $0x1  }
0x17: {  	s4 =	simm.s32 $0x1BF5;
	[smem:$0x3FA8] =	sst s0  }
0x18: {  	s0 =	sld [smem:$0x3F8B];
	_ =	swait.ge [sflag:s4], $0x0  }
0x19: {  	s7 =	sld [smem:$0x3F8C]  }
0x1a: {  	s8 =	sadd.s32 $0xFFFFE003, lr  }
0x1b: {  	s9 =	sadd.s32 $0xFFFFFEF7, lr;
	s5 =	simm.s32 $0xFFFFFFFF;
	p2 =	slt.u32 s8, $0xFFFFF086  }
0x1c: {  	p1 =	slt.u32 s9, $0xF7A;
	s5 =	simm.s32 @!p2 $0x0  }
0x1d: {  	s5 =	simm.s32 @p1 $0x1;
	p0 =	seq.s32 s7, s2  }
0x1e: {  	s7 =	smul.u32 @!p0 $0xF7A, s2;
	p2 =	seq.s32 @!p0 s5, $0x0  }
0x1f: {  	s9 =	smul.u32 $0xF7A, s1;
	s8 =	simm.s32 @!p0 $0x1BF5;
	p2 =	por !p2, p0  }
0x20: {  	[sflag:s8] =	ssyncset.s32 @!p0 $0xFFFFF086;
	s6 =	sadd.s32 @!p0 s3, s7;
	s7 =	simm.s32 @!p0 $0x108  }
0x21: {  	s3 =	sadd.s32 s3, s9;
	s6 =	sadd.s32 @!p0 $0x88, s6;
	s7 =	simm.s32 @p2 $0x1082  }
0x22: {  	[simem:s7], [sflag:s8] =	dma.local @!p0 [hbm:s6], $0xF7A  }
0x23: {  	s9 =	sor.u32 $0xD0000000, s2;
	s6 =	simm.s32 $0x108;
	_ =	swait.ge @!p0 [sflag:s8], $0x0  }
0x24: {  	s3 =	sadd.s32 $0x88, s3;
	s6 =	simm.s32 @!p1 $0x1082;
	[sflag:s4] =	ssyncset.s32 $0xFFFFF086  }
0x25: {  	[simem:s6], [sflag:s4] =	dma.local [hbm:s3], $0xF7A  }
0x26: {  	[smem:$0x3F8C] =	sst s1;
	(tag) =	ssettag s2;
	_ =	strace s9  }
0x27: {  	s1 =	sld [smem:$0x3F9C]  }
0x28: {  	s2 =	sld [smem:$0x3F9D]  }
0x29: {  	s4 =	sld [smem:$0x3F9F]  }
0x2a: {  	p0 =	seq.s32 s5, $0x0;
	s5 =	sld [smem:$0x3FA0]  }
0x2b: {  	s6 =	sld [smem:$0x3FA1]  }
0x2c: {  	s7 =	sld [smem:$0x3FA2]  }
0x2d: {  	s3 =	simm.s32 $0x108;
	s8 =	sld [smem:$0x3FA3]  }
0x2e: {  	s3 =	simm.s32 @!p0 $0x1082;
	s9 =	sld [smem:$0x3FA4]  }
0x2f: {  	lr =	sadd.s32 s0, s3;
	s0 =	sld [smem:$0x3F9B]  }
0x30: {  	s3 =	sld [smem:$0x3F9E]  }
0x31: {  	[smem:$0x3FA7] =	sst s10  }
0x32: {  	s10 =	sld [smem:$0x3FA5];
	_ =	sdelay $0x3  }
0x33: {  	p0 =	seq.s32 s10, $0x1;
	s10 =	sld [smem:$0x3FA7];
	_ =	sdelay $0x3  }
0x34: {  	[smem:$0x3FA7] =	sst s10  }
0x35: {  	s10 =	sld [smem:$0x3FA6];
	_ =	sdelay $0x3  }
0x36: {  	p1 =	seq.s32 s10, $0x1;
	s10 =	sld [smem:$0x3FA7];
	_ =	sdelay $0x3  }
0x37: {  	[smem:$0x3FA7] =	sst s10  }
0x38: {  	s10 =	sld [smem:$0x3FA8]  }
0x39: {  	_ = 	snop;
	(pc) =	sbr.ind lr, $3  }
0x3a: {  	_ = 	snop  }
0x3b: {  	_ = 	snop  }
0x3c: {  	p2 =	seq.s32 s10, $0x1;
	s10 =	sld [smem:$0x3FA7]  }
0x3d: {  	_ =	shalt  }
0x3e: {  	_ =	shalt  }
0x3f: {  	_ =	shalt  }
0x40: {  	_ =	shalt  }
0x41: {  	_ =	shalt  }
0x42: {  	_ =	shalt  }
0x43: {  	_ =	shalt  }
0x44: {  	_ =	shalt  }
0x45: {  	_ =	shalt  }
0x46: {  	_ =	shalt  }
0x47: {  	_ =	shalt  }
0x48: {  	_ =	shalt  }
0x49: {  	_ =	shalt  }
0x4a: {  	_ =	shalt  }
0x4b: {  	_ =	shalt  }
0x4c: {  	_ =	shalt  }
0x4d: {  	_ =	shalt  }
0x4e: {  	_ =	shalt  }
0x4f: {  	_ =	shalt  }
0x50: {  	_ =	shalt  }
0x51: {  	_ =	shalt  }
0x52: {  	_ =	shalt  }
0x53: {  	_ =	shalt  }
0x54: {  	_ =	shalt  }
0x55: {  	_ =	shalt  }
0x56: {  	_ =	shalt  }
0x57: {  	_ =	shalt  }
0x58: {  	_ =	shalt  }
0x59: {  	_ =	shalt  }
0x5a: {  	_ =	shalt  }
0x5b: {  	_ =	shalt  }
0x5c: {  	_ =	shalt  }
0x5d: {  	_ =	shalt  }
0x5e: {  	_ =	shalt  }
0x5f: {  	_ =	shalt  }
0x60: {  	_ =	shalt  }
0x61: {  	_ =	shalt  }
0x62: {  	_ =	shalt  }
0x63: {  	_ =	shalt  }
0x64: {  	_ =	shalt  }
0x65: {  	_ =	shalt  }
0x66: {  	_ =	shalt  }
0x67: {  	_ =	shalt  }
0x68: {  	_ =	shalt  }
0x69: {  	_ =	shalt  }
0x6a: {  	_ =	shalt  }
0x6b: {  	_ =	shalt  }
0x6c: {  	_ =	shalt  }
0x6d: {  	_ =	shalt  }
0x6e: {  	_ =	shalt  }
0x6f: {  	_ =	shalt  }
0x70: {  	_ =	shalt  }
0x71: {  	_ =	shalt  }
0x72: {  	_ =	shalt  }
0x73: {  	_ =	shalt  }
0x74: {  	_ =	shalt  }
0x75: {  	_ =	shalt  }
0x76: {  	_ =	shalt  }
0x77: {  	_ =	shalt  }
0x78: {  	_ =	shalt  }
0x79: {  	_ =	shalt  }
0x7a: {  	_ =	shalt  }
0x7b: {  	_ =	shalt  }
0x7c: {  	_ =	shalt  }
0x7d: {  	_ =	shalt  }
0x7e: {  	_ =	shalt  }
0x7f: {  	_ =	shalt  }
0x80: {  	_ =	shalt  }
0x81: {  	_ =	shalt  }
0x82: {  	_ =	shalt  }
0x83: {  	_ =	shalt  }
0x84: {  	_ =	shalt  }
0x85: {  	_ =	shalt  }
0x86: {  	_ =	shalt  }
0x87: {  	_ =	shalt  }
.Lfunc_end0:
.L_simem_size_0:
called_computation.1_lowered:
.L_overlay_start_0:
0x88: {  	s2 =	sld [smem:$0x3FD9]  }
0x89: {  	s3 =	sld [smem:$0x3FFE];
	_ =	sdelay $0x1  }
0x8a: {  	s1 =	srdreg.scid  }
0x8b: {  	s0 =	sand.u32 $0x1, s1  }
0x8c: {  	s15 =	sshll.u32 s0, $0xA;
	s2 =	sadd.s32 s3, s2  }
0x8d: {  	s2 =	sadd.s32 s2, s15  }
0x8e: {  	[smem:$0x3FB3] =	sst s2  }
0x8f: {  	_ = 	snop  }
0x90: {  	s2 =	sld [smem:$0x3FD0];
	_ =	sdelay $0x2  }
0x91: {  	s16 =	simm.s32 $0xB;
	s4 =	simm.s32 $0x10  }
0x92: {  	[smem:s4], [sflag:s16] =	dma.local [hbm:s2], $0x1  }
0x93: {  	_ =	swait.eq [sflag:s16], $0x1  }
0x94: {  	[sflag:s16] =	ssyncset.done $0x0  }
0x95: {  	[sflag:s16] =	ssyncadd.s32 $0xFFFFFFFF  }
0x96: {  	s17 =	sld [smem:$0x13];
	(tm) =	ssettm $0x1  }
0x97: {  	s18 =	sld [smem:$0x3FFB];
	_ =	sdelay $0x3  }
0x98: {  	_ =	strace s18  }
0x99: {  	s2 =	sld [smem:$0x3FFC];
	_ =	sdelay $0x3  }
0x9a: {  	_ =	strace s2  }
0x9b: {  	s2 =	sld [smem:$0x3FFD];
	_ =	sdelay $0x3  }
0x9c: {  	_ =	strace s2  }
0x9d: {  	_ =	strace $0x8FFFFFFF  }
0x9e: {  	s19 =	sld [smem:$0x3FDB];
	_ =	sdelay $0x1  }
0x9f: {  	s20 =	simm.s32 $_scs_section_size  }
0xa0: {  	s5 =	simm.s32 $_size__tile_overlayer_lowered;
	s6 =	simm.s32 $_tile_overlayer_lowered  }
0xa1: {  	s7 =	simm.s32 $0x1BFF;
	s21 =	sshll.u32 s6, $0x1;
	s4 =	sadd.s32 s20, s19  }
0xa2: {  	s22 =	simm.s32 $0x0;
	s5 =	sshll.u32 s5, $0x1;
	s6 =	sadd.s32 s21, s4  }
0xa3: {  	[timem:s22], [sflag:s7] =	dma.local [hbm:s6], s5  }
0xa4: {  	_ =	swait.ge [sflag:s7], s5  }
0xa5: {  	s5 =	ssub.s32 $0x0, s5;
	[sflag:s7] =	ssyncset.done $0x0  }
0xa6: {  	[sflag:s7] =	ssyncadd.s32 s5;
	_ =	sdelay $0x1  }
0xa7: {  	s23 =	simm.s32 $0x1B8B  }
0xa8: {  	_ =	swait.ge [sflag:s23], $0x1  }
0xa9: {  	[sflag:s23] =	ssyncset.done $0x0  }
0xaa: {  	[sflag:s23] =	ssyncadd.s32 $0xFFFFFFFF  }
0xab: {  	s5 =	sld [smem:$0x0]  }
0xac: {  	s6 =	sand.u32 $0xFFFFFFFE, s1  }
0xad: {  	p0 =	sne.s32 s1, s6  }
0xae: {  	s6 =	sshll.u32 @p0 s6, $0xE  }
0xaf: {  	s6 =	sadd.s32 @p0 $0x11B8D, s6;
	s7 =	sshll.u32 @p0 s5, $0x11  }
0xb0: {  	s6 =	sor.u32 @p0 s7, s6  }
0xb1: {  	[sflag:s6] =	ssyncadd.remote.s32 @p0 $0x1;
	_ =	sdelay $0x1  }
0xb2: {  	s6 =	simm.s32 @p0 $0x1B8D  }
0xb3: {  	_ =	swait.eq @p0 [sflag:s6], $0x1  }
0xb4: {  	[sflag:s6] =	ssyncadd.s32 @p0 $0xFFFFFFFF  }
0xb5: {  	s7 =	sshll.u32 @!p0 s1, $0xE  }
0xb6: {  	s7 =	sor.u32 @!p0 $0x4000, s7;
	s6 =	simm.s32 @!p0 $0x1B8D  }
0xb7: {  	s5 =	sshll.u32 @!p0 s5, $0x11;
	s7 =	sadd.s32 @!p0 $0x11B8D, s7;
	_ =	swait.eq @!p0 [sflag:s6], $0x1  }
0xb8: {  	s5 =	sor.u32 @!p0 s5, s7;
	[sflag:s6] =	ssyncadd.s32 @!p0 $0xFFFFFFFF  }
0xb9: {  	s25 =	simm.s32 $0x1B8E;
	s24 =	sld [smem:$0x3FFE];
	[sflag:s5] =	ssyncadd.remote.s32 @!p0 $0x1  }
0xba: {  	s26 =	simm.s32 $execute0_lowered;
	[smem:$0x3FD2] =	sst s25  }
0xbb: {  	s6 =	sshll.u32 s26, $0x1;
	_ =	strace $0x8000004C;
	[dreg:$0x1] =	wrdreg $0xFFFFFFFF  }
0xbc: {  	s28 =	simm.s32 $_size_execute0_lowered;
	s4 =	sadd.s32 s4, s6;
	[dreg:$0x0] =	wrdreg $0x0  }
0xbd: {  	s6 =	sshll.u32 s28, $0x1;
	[dreg:$0x2] =	wrdreg s4  }
0xbe: {  	[dreg:$0x3] =	wrdreg s6  }
0xbf: {  	[dreg:$0x4] =	wrdreg $0xC0  }
0xc0: {  	_ =	task [dreg:s22], $0x5FFFF  }
0xc1: {  	[dreg:$0x1] =	wrdreg $0xFFFFFFFF  }
0xc2: {  	[dreg:$0x0] =	wrdreg $0x60  }
0xc3: {  	[dreg:$0x2] =	wrdreg s24  }
0xc4: {  	[dreg:$0x3] =	wrdreg s17  }
0xc5: {  	[dreg:$0x4] =	wrdreg $0x28800  }
0xc6: {  	[dreg:$0x5] =	wrdreg $0x9  }
0xc7: {  	_ =	task.clear_ibuf [dreg:s22], $0x6FFFF;
	_ =	strace $0x9000004C  }
0xc8: {  	s29 =	simm.s32 $0x9;
	_ =	strace $0x8000004E  }
0xc9: {  	_ =	swait.ge [sflag:s29], $0x1  }
0xca: {  	[sflag:s29] =	ssyncadd.s32 $0xFFFFFFFF  }
0xcb: {  	_ =	strace $0x9000004E  }
0xcc: {  	_ =	sfence  }
0xcd: {  	s30 =	sld [smem:$0x0];
	_ =	sdelay $0x2  }
0xce: {  	s31 =	sshll.u32 s1, $0xD;
	s1 =	sshrl.u32 s1, $0x2  }
0xcf: {  	s4 =	sand.u32 $0x4000, s31;
	s1 =	sadd.s32 s1, s30  }
0xd0: {  	s0 =	sor.u32 s4, s0;
	s1 =	sshll.u32 s1, $0x11  }
0xd1: {  	s0 =	sor.u32 s1, s0  }
0xd2: {  	s0 =	sadd.s32 $0x8F2B, s0  }
0xd3: {  	[sflag:s0] =	ssyncadd.remote.s32 $0x1  }
0xd4: {  	_ =	sfence.sel $0xFFFF  }
0xd5: {  	[dreg:$0x0] =	wrdreg $0xFFFFFFFF;
	(pc) =	sbr.abs _section_cstart, $3  }
0xd6: {  	[dreg:$0x1] =	wrdreg $0xFFFFFFFF  }
0xd7: {  	_ =	task.clear_ibuf [dreg:s22], $0x2FFFF;
	_ =	strace $0x9FFFFFFF  }
0xd8: {  	(tm) =	ssettm $0x7FFFFFFF  }
0xd9: {  	_ =	shalt  }
tec
execute0_lowered:
.L_overlay_start_1:
0x0: {  	(tag) =	ssettag $0x1  }
0x1: {  	s4 =	rddreg [dreg:$0x0]  }
0x2: {  	s0 =	rddreg [dreg:$0x1];
	s1 =	srdreg.scid  }
0x3: {  	s7 =	stileid.u32;
	s2 =	rddreg [dreg:$0x2]  }
0x4: {  	s3 =	simm.s32 $0x0;
	s11 =	simm.s32 $0x50;
	s6 =	smul.u32 $0x4E20, s7  }
0x5: {  	s5 =	sand.u32 $0x1, s1;
	s1 =	rddreg [dreg:$0x3];
	s9 =	smul.u32 $0x4E200, s7  }
0x6: {  	s12 =	simm.s32 $0x0;
	[smem:$0x7FF] =	sst s3;
	s8 =	smul.u32 $0x2710, s5  }
0x7: {  	p0 =	sne.s32 s7, $0x0;
	s29 =	smul.u32 $0x27100, s5;
	s5 =	ssub.s32 $0x2, s5  }
0x8: {  	_ =	strace $0x8000004D;
	s31 =	sshrl.u32 s5, $0x1;
	s6 =	sadd.s32 s8, s6  }
0x9: {  	s30 =	sadd.s32 s29, s4;
	s5 =	ssub.s32 s5, s31;
	s6 =	sshrl.u32 s6, $0x3  }
0xa: {  	s8 =	sshrl.u32 @!p0 s2, $0x3;
	s5 =	smax.u32 s5, $0x1;
	s10 =	sadd.s32 s6, s4  }
0xb: {  	s4 =	sadd.s32 $0xEF600, s30;
	s6 =	sadd.s32 s9, s30;
	s9 =	simm.s32 $0x1  }
0xc: {  	s6 =	sadd.s32 $0xA84000, s6;
	s7 =	sadd.s32 $0xEA00, s10;
	s10 =	simm.s32 $0x80  }
.LBB2_1:
0xd: {  	s13 =	simm.s32 @!p0 $0x1C01  }
0xe: {  	[spmem:s8], [sflag:s13] =	dma.local @!p0 [hbm:s0], $0x27100  }
0xf: {  	s13 =	simm.s32 @!p0 $0x1  }
0x10: {  	_ =	swait.ge @!p0 [sflag:s13], $0x27100  }
0x11: {  	[sflag:s13] =	ssyncset.done @!p0 $0x0  }
0x12: {  	[sflag:s13] =	ssyncadd.s32 @!p0 $0xFFFD8F00  }
0x13: {  	s31 =	sadd.s32 $0x0, s7;
	[bflag:$0x0] =	sbarrier.arrive $0xFFFF  }
0x14: {  	[tilespmem:s3], [sflag:$0x1] =	stream.linear.gather [hbm4b:s31+s3], $0x50, $0x38;
	[tilespmem:$0x16100] =	vst v63  }
0x15: {  	_ =	swait.ge [sflag:s9], $0x50  }
0x16: {  	[sflag:s9] =	ssyncset.done $0x0  }
0x17: {  	[sflag:s9] =	ssyncadd.s32 $0xFFFFFFB0  }
0x18: {  	[tilespmem:s10], [sflag:$0x1] =	stream.linear.gather [hbm4b:s6+s3], $0x2800, $0x38;
	[tilespmem:$0x16100] =	vst v63  }
0x19: {  	_ =	swait.ge [sflag:s9], $0x2800  }
0x1a: {  	[sflag:s9] =	ssyncset.done $0x0  }
0x1b: {  	[sflag:s9] =	ssyncadd.s32 $0xFFFFD800  }
0x1c: {  	[spmem:s2] =	stream.indirect.scatter.add.f32 [tilespmem:s10], [sflag:$0x1], $0x80, s3, s11, $0xb8;
	[tilespmem:$0x16100] =	vst v63  }
0x1d: {  	s14 =	simm.s32 $0xA;
	_ =	swait.ge [sflag:s9], $0x2800  }
0x1e: {  	s15 =	simm.s32 $0x14;
	s13 =	sadd.s32 $0x500, s6;
	[sflag:s9] =	ssyncset.done $0x0  }
.LBB2_2:
0x1f: {  	s16 =	sadd.s32 s14, s7  }
0x20: {  	[sflag:s9] =	ssyncadd.s32 $0xFFFFD800;
	s14 =	smov.u32 s15;
	s17 =	sadd.s32 $0xA, s15  }
0x21: {  	[tilespmem:s3], [sflag:$0x1] =	stream.linear.gather [hbm4b:s16+s3], $0x50, $0x38;
	[tilespmem:$0x16100] =	vst v63  }
0x22: {  	p1 =	sne.s32 s15, $0x4D8;
	_ =	swait.ge [sflag:s9], $0x50  }
0x23: {  	[sflag:s9] =	ssyncset.done $0x0  }
0x24: {  	[sflag:s9] =	ssyncadd.s32 $0xFFFFFFB0  }
0x25: {  	[tilespmem:s10], [sflag:$0x1] =	stream.linear.gather [hbm4b:s13+s3], $0x2800, $0x38;
	[tilespmem:$0x16100] =	vst v63  }
0x26: {  	_ =	swait.ge [sflag:s9], $0x2800  }
.Ltmp0:
0x27: {  	[sflag:s9] =	ssyncset.done $0x0;
	(pc) =	sbr.rel @p1 .LBB2_2-.Ltmp0, $4  }
0x28: {  	[sflag:s9] =	ssyncadd.s32 $0xFFFFD800  }
0x29: {  	[spmem:s2] =	stream.indirect.scatter.add.f32 [tilespmem:s10], [sflag:$0x1], $0x80, s3, s11, $0xb8;
	[tilespmem:$0x16100] =	vst v63  }
0x2a: {  	_ =	swait.ge [sflag:s9], $0x2800  }
0x2b: {  	s15 =	smov.u32 s17;
	s13 =	sadd.s32 $0x500, s13;
	[sflag:s9] =	ssyncset.done $0x0  }
0x2c: {  	s14 =	sadd.s32 s14, s7;
	[sflag:s9] =	ssyncadd.s32 $0xFFFFD800  }
0x2d: {  	[tilespmem:s3], [sflag:$0x1] =	stream.linear.gather [hbm4b:s14+s3], $0x50, $0x38;
	[tilespmem:$0x16100] =	vst v63  }
0x2e: {  	_ =	swait.ge [sflag:s9], $0x50  }
0x2f: {  	[sflag:s9] =	ssyncset.done $0x0  }
0x30: {  	[sflag:s9] =	ssyncadd.s32 $0xFFFFFFB0  }
0x31: {  	[tilespmem:s10], [sflag:$0x1] =	stream.linear.gather [hbm4b:s13+s3], $0x2800, $0x38;
	[tilespmem:$0x16100] =	vst v63  }
0x32: {  	_ =	swait.ge [sflag:s9], $0x2800  }
0x33: {  	[sflag:s9] =	ssyncset.done $0x0  }
0x34: {  	[sflag:s9] =	ssyncadd.s32 $0xFFFFD800  }
0x35: {  	[spmem:s2] =	stream.indirect.scatter.add.f32 [tilespmem:s10], [sflag:$0x1], $0x80, s3, s11, $0xb8;
	[tilespmem:$0x16100] =	vst v63  }
0x36: {  	_ =	swait.ge [sflag:s9], $0x2800  }
0x37: {  	[sflag:s9] =	ssyncset.done $0x0  }
0x38: {  	s12 =	sadd.s32 $0x1, s12;
	[sflag:s9] =	ssyncadd.s32 $0xFFFFD800  }
0x39: {  	p1 =	sne.s32 s12, s5;
	s13 =	simm.s32 @!p0 $0x1C01;
	[bflag:$0x0] =	sbarrier.arrive $0xFFFF  }
0x3a: {  	[hbm:s4], [sflag:s13] =	dma.local @!p0 [spmem:s8], $0x27100  }
.Ltmp1:
0x3b: {  	_ = 	snop;
	(pc) =	sbr.rel @p1 .LBB2_1-.Ltmp1, $4  }
0x3c: {  	s13 =	simm.s32 @!p0 $0x1  }
0x3d: {  	_ =	swait.ge @!p0 [sflag:s13], $0x27100  }
0x3e: {  	[sflag:s13] =	ssyncset.done @!p0 $0x0  }
0x3f: {  	[sflag:s13] =	ssyncadd.s32 @!p0 $0xFFFD8F00  }
0x40: {  	_ =	sfence.sel $0x180000  }
0x41: {  	[bflag:$0x0] =	sbarrier.arrive $0xFFFF  }
0x42: {  	_ =	strace $0x9000004D  }
0x43: {  	s0 =	sadd.s32 @!p0 $0x100000, s1;
	[bflag:$0x2] =	sbarrier.arrive $0xFFFF  }
0x44: {  	[sflag:s0] =	ssyncadd.tile.s32 @!p0 $0x1;
	_ =	shalt  }
.Lfunc_end2:
_tile_overlayer_lowered:
.L_overlay_start_2:
0x45: {  	(tag) =	ssettag $0x2  }
0x46: {  	s0 =	rddreg [dreg:$0x0];
	s2 =	stileid.u32  }
0x47: {  	s1 =	rddreg [dreg:$0x1];
	p0 =	sne.s32 s2, $0x0  }
0x48: {  	s3 =	rddreg [dreg:$0x2];
	[bflag:$0x3] =	sbarrier.arrive $0xFFFF;
	s2 =	simm.s32 @!p0 $0x1C01  }
0x49: {  	[timem:s3], [sflag:s2] =	dma.local @!p0 [hbm:s0], s1  }
0x4a: {  	s0 =	simm.s32 @!p0 $0x1  }
0x4b: {  	_ =	swait.ge @!p0 [sflag:s0], s1  }
0x4c: {  	s1 =	ssub.s32 @!p0 $0x0, s1;
	[sflag:s0] =	ssyncset.done @!p0 $0x0  }
0x4d: {  	[sflag:s0] =	ssyncadd.s32 @!p0 s1  }
0x4e: {  	[bflag:$0x3] =	sbarrier.arrive $0xFFFF  }
0x4f: {  	_ =	shalt  }

// kernel: kernel.16.cloned.1.call-start
scs
__scs_entry_jumppad:
0x0: {  	(pc) =	sbr.rel $0x88, $3  }
0x1: {  	(tag) =	ssettag $0x0;
	lr =	simm.s32 $0x1  }
0x2: {  	[smem:$0x3F8C] =	sst lr;
	_ =	strace $0xD0000000  }
0x3: {  	_ = 	snop  }
0x4: {  	_ = 	snop  }
0x5: {  	_ = 	snop  }
0x6: {  	_ = 	snop  }
0x7: {  	_ = 	snop  }
__scs_overlays_trampoline_lowered:
0x8: {  	[smem:$0x3F9B] =	sst s0  }
0x9: {  	[smem:$0x3F9C] =	sst s1  }
0xa: {  	[smem:$0x3F9D] =	sst s2  }
0xb: {  	[smem:$0x3F9E] =	sst s3  }
0xc: {  	[smem:$0x3F9F] =	sst s4  }
0xd: {  	[smem:$0x3FA0] =	sst s5  }
0xe: {  	[smem:$0x3FA1] =	sst s6  }
0xf: {  	[smem:$0x3FA2] =	sst s7  }
0x10: {  	[smem:$0x3FA3] =	sst s8  }
0x11: {  	[smem:$0x3FA4] =	sst s9;
	s0 =	simm.s32 @!p0 $0x0  }
0x12: {  	s1 =	sld [smem:$0x3F8A];
	s0 =	simm.s32 @p0 $0x1  }
0x13: {  	[smem:$0x3FA5] =	sst s0;
	s0 =	simm.s32 @!p1 $0x0  }
0x14: {  	s2 =	sld [smem:$0x3F89];
	s0 =	simm.s32 @p1 $0x1  }
0x15: {  	[smem:$0x3FA6] =	sst s0;
	s0 =	simm.s32 @!p2 $0x0  }
0x16: {  	s3 =	sld [smem:$0x3FDB];
	s0 =	simm.s32 @p2 $0x1  }
0x17: {  	s4 =	simm.s32 $0x1BF5;
	[smem:$0x3FA8] =	sst s0  }
0x18: {  	s0 =	sld [smem:$0x3F8B];
	_ =	swait.ge [sflag:s4], $0x0  }
0x19: {  	s7 =	sld [smem:$0x3F8C]  }
0x1a: {  	s8 =	sadd.s32 $0xFFFFE003, lr  }
0x1b: {  	s9 =	sadd.s32 $0xFFFFFEF7, lr;
	s5 =	simm.s32 $0xFFFFFFFF;
	p2 =	slt.u32 s8, $0xFFFFF086  }
0x1c: {  	p1 =	slt.u32 s9, $0xF7A;
	s5 =	simm.s32 @!p2 $0x0  }
0x1d: {  	s5 =	simm.s32 @p1 $0x1;
	p0 =	seq.s32 s7, s2  }
0x1e: {  	s7 =	smul.u32 @!p0 $0xF7A, s2;
	p2 =	seq.s32 @!p0 s5, $0x0  }
0x1f: {  	s9 =	smul.u32 $0xF7A, s1;
	s8 =	simm.s32 @!p0 $0x1BF5;
	p2 =	por !p2, p0  }
0x20: {  	[sflag:s8] =	ssyncset.s32 @!p0 $0xFFFFF086;
	s6 =	sadd.s32 @!p0 s3, s7;
	s7 =	simm.s32 @!p0 $0x108  }
0x21: {  	s3 =	sadd.s32 s3, s9;
	s6 =	sadd.s32 @!p0 $0x88, s6;
	s7 =	simm.s32 @p2 $0x1082  }
0x22: {  	[simem:s7], [sflag:s8] =	dma.local @!p0 [hbm:s6], $0xF7A  }
0x23: {  	s9 =	sor.u32 $0xD0000000, s2;
	s6 =	simm.s32 $0x108;
	_ =	swait.ge @!p0 [sflag:s8], $0x0  }
0x24: {  	s3 =	sadd.s32 $0x88, s3;
	s6 =	simm.s32 @!p1 $0x1082;
	[sflag:s4] =	ssyncset.s32 $0xFFFFF086  }
0x25: {  	[simem:s6], [sflag:s4] =	dma.local [hbm:s3], $0xF7A  }
0x26: {  	[smem:$0x3F8C] =	sst s1;
	(tag) =	ssettag s2;
	_ =	strace s9  }
0x27: {  	s1 =	sld [smem:$0x3F9C]  }
0x28: {  	s2 =	sld [smem:$0x3F9D]  }
0x29: {  	s4 =	sld [smem:$0x3F9F]  }
0x2a: {  	p0 =	seq.s32 s5, $0x0;
	s5 =	sld [smem:$0x3FA0]  }
0x2b: {  	s6 =	sld [smem:$0x3FA1]  }
0x2c: {  	s7 =	sld [smem:$0x3FA2]  }
0x2d: {  	s3 =	simm.s32 $0x108;
	s8 =	sld [smem:$0x3FA3]  }
0x2e: {  	s3 =	simm.s32 @!p0 $0x1082;
	s9 =	sld [smem:$0x3FA4]  }
0x2f: {  	lr =	sadd.s32 s0, s3;
	s0 =	sld [smem:$0x3F9B]  }
0x30: {  	s3 =	sld [smem:$0x3F9E]  }
0x31: {  	[smem:$0x3FA7] =	sst s10  }
0x32: {  	s10 =	sld [smem:$0x3FA5];
	_ =	sdelay $0x3  }
0x33: {  	p0 =	seq.s32 s10, $0x1;
	s10 =	sld [smem:$0x3FA7];
	_ =	sdelay $0x3  }
0x34: {  	[smem:$0x3FA7] =	sst s10  }
0x35: {  	s10 =	sld [smem:$0x3FA6];
	_ =	sdelay $0x3  }
0x36: {  	p1 =	seq.s32 s10, $0x1;
	s10 =	sld [smem:$0x3FA7];
	_ =	sdelay $0x3  }
0x37: {  	[smem:$0x3FA7] =	sst s10  }
0x38: {  	s10 =	sld [smem:$0x3FA8]  }
0x39: {  	_ = 	snop;
	(pc) =	sbr.ind lr, $3  }
0x3a: {  	_ = 	snop  }
0x3b: {  	_ = 	snop  }
0x3c: {  	p2 =	seq.s32 s10, $0x1;
	s10 =	sld [smem:$0x3FA7]  }
0x3d: {  	_ =	shalt  }
0x3e: {  	_ =	shalt  }
0x3f: {  	_ =	shalt  }
0x40: {  	_ =	shalt  }
0x41: {  	_ =	shalt  }
0x42: {  	_ =	shalt  }
0x43: {  	_ =	shalt  }
0x44: {  	_ =	shalt  }
0x45: {  	_ =	shalt  }
0x46: {  	_ =	shalt  }
0x47: {  	_ =	shalt  }
0x48: {  	_ =	shalt  }
0x49: {  	_ =	shalt  }
0x4a: {  	_ =	shalt  }
0x4b: {  	_ =	shalt  }
0x4c: {  	_ =	shalt  }
0x4d: {  	_ =	shalt  }
0x4e: {  	_ =	shalt  }
0x4f: {  	_ =	shalt  }
0x50: {  	_ =	shalt  }
0x51: {  	_ =	shalt  }
0x52: {  	_ =	shalt  }
0x53: {  	_ =	shalt  }
0x54: {  	_ =	shalt  }
0x55: {  	_ =	shalt  }
0x56: {  	_ =	shalt  }
0x57: {  	_ =	shalt  }
0x58: {  	_ =	shalt  }
0x59: {  	_ =	shalt  }
0x5a: {  	_ =	shalt  }
0x5b: {  	_ =	shalt  }
0x5c: {  	_ =	shalt  }
0x5d: {  	_ =	shalt  }
0x5e: {  	_ =	shalt  }
0x5f: {  	_ =	shalt  }
0x60: {  	_ =	shalt  }
0x61: {  	_ =	shalt  }
0x62: {  	_ =	shalt  }
0x63: {  	_ =	shalt  }
0x64: {  	_ =	shalt  }
0x65: {  	_ =	shalt  }
0x66: {  	_ =	shalt  }
0x67: {  	_ =	shalt  }
0x68: {  	_ =	shalt  }
0x69: {  	_ =	shalt  }
0x6a: {  	_ =	shalt  }
0x6b: {  	_ =	shalt  }
0x6c: {  	_ =	shalt  }
0x6d: {  	_ =	shalt  }
0x6e: {  	_ =	shalt  }
0x6f: {  	_ =	shalt  }
0x70: {  	_ =	shalt  }
0x71: {  	_ =	shalt  }
0x72: {  	_ =	shalt  }
0x73: {  	_ =	shalt  }
0x74: {  	_ =	shalt  }
0x75: {  	_ =	shalt  }
0x76: {  	_ =	shalt  }
0x77: {  	_ =	shalt  }
0x78: {  	_ =	shalt  }
0x79: {  	_ =	shalt  }
0x7a: {  	_ =	shalt  }
0x7b: {  	_ =	shalt  }
0x7c: {  	_ =	shalt  }
0x7d: {  	_ =	shalt  }
0x7e: {  	_ =	shalt  }
0x7f: {  	_ =	shalt  }
0x80: {  	_ =	shalt  }
0x81: {  	_ =	shalt  }
0x82: {  	_ =	shalt  }
0x83: {  	_ =	shalt  }
0x84: {  	_ =	shalt  }
0x85: {  	_ =	shalt  }
0x86: {  	_ =	shalt  }
0x87: {  	_ =	shalt  }
.Lfunc_end0:
.L_simem_size_0:
called_computation.2_lowered:
.L_overlay_start_0:
0x88: {  	s2 =	sld [smem:$0x3FD9]  }
0x89: {  	s3 =	sld [smem:$0x3FFE];
	_ =	sdelay $0x1  }
0x8a: {  	s1 =	srdreg.scid  }
0x8b: {  	s0 =	sand.u32 $0x1, s1  }
0x8c: {  	s16 =	sshll.u32 s0, $0xA;
	s2 =	sadd.s32 s3, s2  }
0x8d: {  	s2 =	sadd.s32 s2, s16  }
0x8e: {  	[smem:$0x3FB3] =	sst s2  }
0x8f: {  	_ = 	snop  }
0x90: {  	(tm) =	ssettm $0x1  }
0x91: {  	s17 =	sld [smem:$0x3FFB];
	_ =	sdelay $0x3  }
0x92: {  	_ =	strace s17  }
0x93: {  	s2 =	sld [smem:$0x3FFC];
	_ =	sdelay $0x3  }
0x94: {  	_ =	strace s2  }
0x95: {  	s2 =	sld [smem:$0x3FFD];
	_ =	sdelay $0x3  }
0x96: {  	_ =	strace s2  }
0x97: {  	_ =	strace $0x8FFFFFFF  }
0x98: {  	s18 =	sld [smem:$0x3FDB];
	_ =	sdelay $0x1  }
0x99: {  	s19 =	simm.s32 $_scs_section_size  }
0x9a: {  	s4 =	simm.s32 $_size__tile_overlayer_lowered;
	s5 =	simm.s32 $_tile_overlayer_lowered  }
0x9b: {  	s22 =	simm.s32 $0x1BFF;
	s21 =	sshll.u32 s5, $0x1;
	s2 =	sadd.s32 s19, s18  }
0x9c: {  	s6 =	simm.s32 $0x0;
	s20 =	sshll.u32 s4, $0x1;
	s4 =	sadd.s32 s21, s2  }
0x9d: {  	[timem:s6], [sflag:s22] =	dma.local [hbm:s4], s20  }
0x9e: {  	_ =	swait.ge [sflag:s22], s20  }
0x9f: {  	s3 =	ssub.s32 $0x0, s20;
	[sflag:s22] =	ssyncset.done $0x0  }
0xa0: {  	[sflag:s22] =	ssyncadd.s32 s3;
	_ =	sdelay $0x1  }
0xa1: {  	s23 =	simm.s32 $0x1B8B  }
0xa2: {  	_ =	swait.ge [sflag:s23], $0x1  }
0xa3: {  	[sflag:s23] =	ssyncset.done $0x0  }
0xa4: {  	s25 =	simm.s32 $0x1B8E;
	s24 =	sld [smem:$0x3FFE];
	[sflag:s23] =	ssyncadd.s32 $0xFFFFFFFF  }
0xa5: {  	s26 =	simm.s32 $execute0_lowered;
	[smem:$0x3FD2] =	sst s25  }
0xa6: {  	s4 =	sshll.u32 s26, $0x1;
	_ =	strace $0x80000049;
	[dreg:$0x1] =	wrdreg $0xFFFFFFFF  }
0xa7: {  	s28 =	simm.s32 $_size_execute0_lowered;
	s2 =	sadd.s32 s2, s4;
	[dreg:$0x0] =	wrdreg $0x0  }
0xa8: {  	s4 =	sshll.u32 s28, $0x1;
	[dreg:$0x2] =	wrdreg s2  }
0xa9: {  	[dreg:$0x3] =	wrdreg s4  }
0xaa: {  	[dreg:$0x4] =	wrdreg $0xC0  }
0xab: {  	_ =	task [dreg:s6], $0x5FFFF  }
0xac: {  	[dreg:$0x1] =	wrdreg $0xFFFFFFFF  }
0xad: {  	[dreg:$0x0] =	wrdreg $0x60  }
0xae: {  	[dreg:$0x2] =	wrdreg s24  }
0xaf: {  	[dreg:$0x3] =	wrdreg $0xA  }
0xb0: {  	_ =	task.clear_ibuf [dreg:s6], $0x4FFFF;
	_ =	strace $0x90000049  }
0xb1: {  	s29 =	simm.s32 $0xA;
	_ =	strace $0x8000004B  }
0xb2: {  	_ =	swait.ge [sflag:s29], $0x1  }
0xb3: {  	[sflag:s29] =	ssyncadd.s32 $0xFFFFFFFF  }
0xb4: {  	_ =	strace $0x9000004B  }
0xb5: {  	_ =	sfence  }
0xb6: {  	s30 =	sld [smem:$0x0];
	_ =	sdelay $0x2  }
0xb7: {  	s31 =	sshll.u32 s1, $0xD;
	s1 =	sshrl.u32 s1, $0x2  }
0xb8: {  	s3 =	sand.u32 $0x4000, s31;
	s1 =	sadd.s32 s1, s30  }
0xb9: {  	s0 =	sor.u32 s3, s0;
	s1 =	sshll.u32 s1, $0x11  }
0xba: {  	s0 =	sor.u32 s1, s0  }
0xbb: {  	s0 =	sadd.s32 $0x8F2B, s0  }
0xbc: {  	[sflag:s0] =	ssyncadd.remote.s32 $0x1  }
0xbd: {  	_ =	sfence.sel $0xFFFF  }
0xbe: {  	[dreg:$0x0] =	wrdreg $0xFFFFFFFF;
	(pc) =	sbr.abs _section_cstart, $3  }
0xbf: {  	[dreg:$0x1] =	wrdreg $0xFFFFFFFF  }
0xc0: {  	_ =	task.clear_ibuf [dreg:s6], $0x2FFFF;
	_ =	strace $0x9FFFFFFF  }
0xc1: {  	(tm) =	ssettm $0x7FFFFFFF  }
tec
execute0_lowered:
.L_overlay_start_1:
0x0: {  	(tag) =	ssettag $0x1  }
0x1: {  	s3 =	rddreg [dreg:$0x0];
	s2 =	srdreg.scid  }
0x2: {  	s1 =	stileid.u32;
	s0 =	rddreg [dreg:$0x1];
	s9 =	simm.s32 $0x1  }
0x3: {  	s10 =	simm.s32 $0x50;
	s11 =	simm.s32 $0xA0;
	s12 =	simm.s32 $0xF0  }
0x4: {  	s13 =	simm.s32 $0x140;
	s4 =	sand.u32 $0x1, s2;
	s5 =	smul.u32 $0x4E20, s1  }
0x5: {  	s2 =	simm.s32 $0x0;
	s7 =	sshll.u32 s1, $0x1;
	s6 =	smul.u32 $0x2710, s4  }
0x6: {  	s14 =	simm.s32 $0x0;
	[smem:$0x7FF] =	sst s2;
	s7 =	sor.u32 s4, s7  }
0x7: {  	s4 =	ssub.s32 $0x2, s4;
	s30 =	smul.u32 $0x2710, s7;
	s5 =	sadd.s32 s6, s5  }
0x8: {  	_ =	strace $0x8000004A;
	s31 =	sshrl.u32 s4, $0x1;
	s5 =	sshrl.u32 s5, $0x3  }
0x9: {  	s4 =	ssub.s32 s4, s31;
	s8 =	sadd.s32 s5, s3;
	s3 =	sadd.s32 s30, s3  }
0xa: {  	s4 =	smax.u32 s4, $0x1;
	s3 =	sadd.s32 $0xA1400, s3;
	s5 =	sadd.s32 $0x4C00, s8  }
0xb: {  	v0 =	vimm.f32 $0.0e+00;
	s6 =	sadd.s32 $0x18800, s8;
	s7 =	sadd.s32 $0x53000, s8;
	s8 =	sadd.s32 $0xEA00, s8  }
.LBB2_1:
0xc: {  	s15 =	simm.s32 $0x0  }
.LBB2_2:
0xd: {  	p0 =	sne.s32 s15, $0x9C00  }
.Ltmp0:
0xe: {  	_ = 	snop;
	(pc) =	sbr.rel @p0 .LBB2_2-.Ltmp0, $4  }
0xf: {  	s16 =	sshra.s32 s15, $0x2  }
0x10: {  	[tilespmem:s16+$0x140] =	vst v0  }
0x11: {  	[tilespmem:s16+$0x2850] =	vst v0  }
0x12: {  	s15 =	sadd.s32 $0x40, s15;
	[tilespmem:s16+$0x4F60] =	vst v0  }
0x13: {  	s15 =	simm.s32 $0x0  }
.LBB2_4:
0x14: {  	s16 =	sadd.s32 s15, s8  }
0x15: {  	[tilespmem:s2], [sflag:$0x1] =	stream.linear.gather [hbm4b:s16+s2], $0x50, $0x38;
	[tilespmem:$0x139C0] =	vst v63  }
0x16: {  	_ =	swait.ge [sflag:s9], $0x50  }
0x17: {  	[sflag:s9] =	ssyncset.done $0x0  }
0x18: {  	s29 =	sadd.s32 s15, s7;
	[sflag:s9] =	ssyncadd.s32 $0xFFFFFFB0  }
0x19: {  	[tilespmem:s10], [sflag:$0x1] =	stream.linear.gather [hbm4b:s29+s2], $0x50, $0x38;
	[tilespmem:$0x139C0] =	vst v63  }
0x1a: {  	_ =	swait.ge [sflag:s9], $0x50  }
0x1b: {  	[sflag:s9] =	ssyncset.done $0x0  }
0x1c: {  	s30 =	sadd.s32 s15, s6;
	[sflag:s9] =	ssyncadd.s32 $0xFFFFFFB0  }
0x1d: {  	[tilespmem:s11], [sflag:$0x1] =	stream.linear.gather [hbm4b:s30+s2], $0x50, $0x38;
	[tilespmem:$0x139C0] =	vst v63  }
0x1e: {  	_ =	swait.ge [sflag:s9], $0x50  }
0x1f: {  	[sflag:s9] =	ssyncset.done $0x0  }
0x20: {  	s31 =	sadd.s32 s15, s5;
	[sflag:s9] =	ssyncadd.s32 $0xFFFFFFB0  }
0x21: {  	[tilespmem:s12], [sflag:$0x1] =	stream.linear.gather [hbm4b:s31+s2], $0x50, $0x38;
	[tilespmem:$0x139C0] =	vst v63  }
0x22: {  	_ =	swait.ge [sflag:s9], $0x50  }
0x23: {  	[sflag:s9] =	ssyncset.done $0x0  }
0x24: {  	[sflag:s9] =	ssyncadd.s32 $0xFFFFFFB0  }
0x25: {  	v1 =	vld [tilespmem:$0x0];
	_ =	sdelay $0x2  }
0x26: {  	v2 =	vld [tilespmem:$0x50];
	_ =	sdelay $0x4  }
0x27: {  	[tilespmem:v1+s13+$0x0] =	vst.idx.add.f32.msk $0xffff, v2  }
0x28: {  	v3 =	vadd.s32 $0x2710, v1;
	v2 =	vld [tilespmem:$0xA0];
	_ =	sdelay $0x4  }
0x29: {  	[tilespmem:v3+s13+$0x0] =	vst.idx.add.f32.msk $0xffff, v2  }
0x2a: {  	v1 =	vadd.s32 $0x4E20, v1;
	v2 =	vld [tilespmem:$0xF0];
	_ =	sdelay $0x4  }
0x2b: {  	[tilespmem:v1+s13+$0x0] =	vst.idx.add.f32.msk $0xffff, v2  }
0x2c: {  	v1 =	vld [tilespmem:$0x10];
	_ =	sdelay $0x2  }
0x2d: {  	v2 =	vld [tilespmem:$0x60];
	_ =	sdelay $0x4  }
0x2e: {  	[tilespmem:v1+s13+$0x0] =	vst.idx.add.f32.msk $0xffff, v2  }
0x2f: {  	v3 =	vadd.s32 $0x2710, v1;
	v2 =	vld [tilespmem:$0xB0];
	_ =	sdelay $0x4  }
0x30: {  	[tilespmem:v3+s13+$0x0] =	vst.idx.add.f32.msk $0xffff, v2  }
0x31: {  	v1 =	vadd.s32 $0x4E20, v1;
	v2 =	vld [tilespmem:$0x100];
	_ =	sdelay $0x4  }
0x32: {  	[tilespmem:v1+s13+$0x0] =	vst.idx.add.f32.msk $0xffff, v2  }
0x33: {  	v1 =	vld [tilespmem:$0x20];
	_ =	sdelay $0x2  }
0x34: {  	v2 =	vld [tilespmem:$0x70];
	_ =	sdelay $0x4  }
0x35: {  	[tilespmem:v1+s13+$0x0] =	vst.idx.add.f32.msk $0xffff, v2  }
0x36: {  	v3 =	vadd.s32 $0x2710, v1;
	v2 =	vld [tilespmem:$0xC0];
	_ =	sdelay $0x4  }
0x37: {  	[tilespmem:v3+s13+$0x0] =	vst.idx.add.f32.msk $0xffff, v2  }
0x38: {  	v1 =	vadd.s32 $0x4E20, v1;
	v2 =	vld [tilespmem:$0x110];
	_ =	sdelay $0x4  }
0x39: {  	[tilespmem:v1+s13+$0x0] =	vst.idx.add.f32.msk $0xffff, v2  }
0x3a: {  	v1 =	vld [tilespmem:$0x30];
	_ =	sdelay $0x2  }
0x3b: {  	v2 =	vld [tilespmem:$0x80];
	_ =	sdelay $0x4  }
0x3c: {  	[tilespmem:v1+s13+$0x0] =	vst.idx.add.f32.msk $0xffff, v2  }
0x3d: {  	v3 =	vadd.s32 $0x2710, v1;
	v2 =	vld [tilespmem:$0xD0];
	_ =	sdelay $0x4  }
0x3e: {  	[tilespmem:v3+s13+$0x0] =	vst.idx.add.f32.msk $0xffff, v2  }
0x3f: {  	v1 =	vadd.s32 $0x4E20, v1;
	v2 =	vld [tilespmem:$0x120];
	_ =	sdelay $0x4  }
0x40: {  	[tilespmem:v1+s13+$0x0] =	vst.idx.add.f32.msk $0xffff, v2  }
0x41: {  	v1 =	vld [tilespmem:$0x40];
	_ =	sdelay $0x2  }
0x42: {  	v2 =	vld [tilespmem:$0x90];
	_ =	sdelay $0x4  }
0x43: {  	[tilespmem:v1+s13+$0x0] =	vst.idx.add.f32.msk $0xffff, v2  }
0x44: {  	v3 =	vadd.s32 $0x2710, v1;
	v2 =	vld [tilespmem:$0xE0];
	_ =	sdelay $0x4  }
0x45: {  	[tilespmem:v3+s13+$0x0] =	vst.idx.add.f32.msk $0xffff, v2  }
0x46: {  	p0 =	sne.s32 s15, $0x4D8;
	v1 =	vadd.s32 $0x4E20, v1;
	v2 =	vld [tilespmem:$0x130]  }
.Ltmp1:
0x47: {  	_ = 	snop;
	(pc) =	sbr.rel @p0 .LBB2_4-.Ltmp1, $2  }
0x48: {  	_ =	sdelay $0x2  }
0x49: {  	s15 =	sadd.s32 $0xA, s15;
	[tilespmem:v1+s13+$0x0] =	vst.idx.add.f32.msk $0xffff, v2  }
0x4a: {  	s14 =	sadd.s32 $0x1, s14  }
0x4b: {  	p0 =	sne.s32 s14, s4  }
.Ltmp2:
0x4c: {  	_ = 	snop;
	(pc) =	sbr.rel @p0 .LBB2_1-.Ltmp2, $4  }
0x4d: {  	[hbm4b:s3+s2] =	stream.linear.scatter [tilespmem:s13], [sflag:$0x1], $0x13880, $0x38;
	[tilespmem:$0x139C0] =	vst v63  }
0x4e: {  	_ =	swait.ge [sflag:s9], $0x13880  }
0x4f: {  	[sflag:s9] =	ssyncset.done $0x0  }
0x50: {  	[sflag:s9] =	ssyncadd.s32 $0xFFFEC780  }
0x51: {  	_ =	sfence.sel $0x180000  }
0x52: {  	[bflag:$0x0] =	sbarrier.arrive $0xFFFF  }
0x53: {  	p0 =	sne.s32 s1, $0x0;
	_ =	strace $0x9000004A  }
0x54: {  	s0 =	sadd.s32 @!p0 $0x100000, s0;
	[bflag:$0x2] =	sbarrier.arrive $0xFFFF  }
0x55: {  	[sflag:s0] =	ssyncadd.tile.s32 @!p0 $0x1;
	_ =	shalt  }
.Lfunc_end2:
_tile_overlayer_lowered:
.L_overlay_start_2:
0x56: {  	(tag) =	ssettag $0x2  }
0x57: {  	s0 =	rddreg [dreg:$0x0];
	s2 =	stileid.u32  }
0x58: {  	s1 =	rddreg [dreg:$0x1];
	p0 =	sne.s32 s2, $0x0  }
0x59: {  	s3 =	rddreg [dreg:$0x2];
	[bflag:$0x3] =	sbarrier.arrive $0xFFFF;
	s2 =	simm.s32 @!p0 $0x1C01  }
0x5a: {  	[timem:s3], [sflag:s2] =	dma.local @!p0 [hbm:s0], s1  }
0x5b: {  	s0 =	simm.s32 @!p0 $0x1  }
0x5c: {  	_ =	swait.ge @!p0 [sflag:s0], s1  }
0x5d: {  	s1 =	ssub.s32 @!p0 $0x0, s1;
	[sflag:s0] =	ssyncset.done @!p0 $0x0  }
0x5e: {  	[sflag:s0] =	ssyncadd.s32 @!p0 s1  }
0x5f: {  	[bflag:$0x3] =	sbarrier.arrive $0xFFFF  }
0x60: {  	_ =	shalt  }

</sc_bundles>
